<compile_context>
chip_gen: v7x
topology: tpu7x:2x2x1
jax: 0.10.2.dev20260603
libtpu: 0.0.44.dev20260713+nightly
codegen_flags: <defaults>
</compile_context>

<pallas_src>
import functools

import jax
import jax.numpy as jnp
from jax import lax
from jax.experimental import pallas as pl
from jax.experimental.pallas import tpu as pltpu
from jax.experimental.pallas import tpu_sc as plsc

EPS = 1e-5
KNN = 30
KPAD = 32
NEG = -1e30


TW = 512


def _knn_body(lo_ref, hi_ref, xp_ref, xt_ref, bi_ref, bj_ref, idx_ref, d_ref):
    i = pl.program_id(0)
    lo = lo_ref[i]
    hi = hi_ref[i]
    xb = xp_ref[...]
    bi = bi_ref[...]
    xsi = jnp.sum(xb * xb, axis=1, keepdims=True)
    rb = xb.shape[0]
    n = xt_ref.shape[1]
    lane_tw = jax.lax.broadcasted_iota(jnp.int32, (rb, TW), 1)
    lane_k = jax.lax.broadcasted_iota(jnp.int32, (rb, KPAD), 1)

    def init_tile(t, _):
        off = t * TW
        xtt = xt_ref[:, pl.ds(off, TW)]
        bj = bj_ref[:, pl.ds(off, TW)]
        xsj = jnp.sum(xtt * xtt, axis=0, keepdims=True)
        d = xsi + xsj - 2.0 * jnp.dot(
            xb, xtt, preferred_element_type=jnp.float32,
            precision=lax.Precision.HIGHEST)
        d_ref[:, pl.ds(off, TW)] = jnp.where(bi != bj, jnp.inf, d)
        return 0

    lax.fori_loop(lo, hi, init_tile, 0)

    def ext(s, idx_acc):
        def mint(t, m):
            dd = d_ref[:, pl.ds(t * TW, TW)]
            return jnp.minimum(m, jnp.min(dd, axis=1, keepdims=True))

        m = lax.fori_loop(lo, hi, mint,
                          jnp.full((rb, 1), jnp.inf, jnp.float32))

        def lc(t, am):
            off = t * TW
            dd = d_ref[:, pl.ds(off, TW)]
            hit = dd == m
            d_ref[:, pl.ds(off, TW)] = jnp.where(hit, jnp.inf, dd)
            cand = jnp.min(jnp.where(hit, lane_tw + off, n),
                           axis=1, keepdims=True)
            return jnp.minimum(am, cand)

        am = lax.fori_loop(lo, hi, lc, jnp.full((rb, 1), n, jnp.int32))
        return jnp.where(lane_k == s, am, idx_acc)

    idx_acc = lax.fori_loop(0, KNN, ext, jnp.zeros((rb, KPAD), jnp.int32))
    first = idx_acc[:, 0:1]
    idx_ref[...] = jnp.where(lane_k >= KNN, first, idx_acc)


def _knn(x, batch):
    n, dp = x.shape
    rb = 256
    xt = x.T
    bi = batch.reshape(n, 1)
    bj = batch.reshape(1, n)
    nb = 8
    starts = jnp.searchsorted(batch, jnp.arange(nb, dtype=jnp.int32),
                              side='left').astype(jnp.int32)
    ends = jnp.searchsorted(batch, jnp.arange(nb, dtype=jnp.int32),
                            side='right').astype(jnp.int32)
    bfirst = batch[::rb]
    blast = batch[rb - 1::rb]
    lo = (starts[bfirst] // TW).astype(jnp.int32)
    hi = ((ends[blast] + TW - 1) // TW).astype(jnp.int32)
    return pl.pallas_call(
        _knn_body,
        grid=(n // rb,),
        in_specs=[
            pl.BlockSpec(memory_space=pltpu.SMEM),
            pl.BlockSpec(memory_space=pltpu.SMEM),
            pl.BlockSpec((rb, dp), lambda i: (i, 0)),
            pl.BlockSpec((dp, n), lambda i: (0, 0)),
            pl.BlockSpec((rb, 1), lambda i: (i, 0)),
            pl.BlockSpec((1, n), lambda i: (0, 0)),
        ],
        out_specs=pl.BlockSpec((rb, KPAD), lambda i: (i, 0)),
        out_shape=jax.ShapeDtypeStruct((n, KPAD), jnp.int32),
        scratch_shapes=[pltpu.VMEM((rb, n), jnp.float32)],
        compiler_params=pltpu.CompilerParams(
            dimension_semantics=("arbitrary",)),
    )(lo, hi, x, xt, bi, bj)


def _mm_body(x_ref, w_ref, b_ref, o_ref, st_ref, *, relu, stats):
    acc = jnp.dot(x_ref[...], w_ref[...],
                  preferred_element_type=jnp.float32, precision=lax.Precision.HIGHEST) + b_ref[...]
    if relu:
        acc = jnp.maximum(acc, 0.0)
    o_ref[...] = acc
    if stats:
        i = pl.program_id(0)

        @pl.when(i == 0)
        def _():
            st_ref[...] = jnp.zeros_like(st_ref)

        st_ref[0:1, :] += jnp.sum(acc, axis=0, keepdims=True)
        st_ref[1:2, :] += jnp.sum(acc * acc, axis=0, keepdims=True)


def _mm(x, wt, b, relu=False, stats=False, rb=512):
    n, din = x.shape
    dout = wt.shape[1]
    out, st = pl.pallas_call(
        functools.partial(_mm_body, relu=relu, stats=stats),
        grid=(n // rb,),
        in_specs=[
            pl.BlockSpec((rb, din), lambda i: (i, 0)),
            pl.BlockSpec((din, dout), lambda i: (0, 0)),
            pl.BlockSpec((1, dout), lambda i: (0, 0)),
        ],
        out_specs=[
            pl.BlockSpec((rb, dout), lambda i: (i, 0)),
            pl.BlockSpec((8, dout), lambda i: (0, 0)),
        ],
        out_shape=[
            jax.ShapeDtypeStruct((n, dout), jnp.float32),
            jax.ShapeDtypeStruct((8, dout), jnp.float32),
        ],
        compiler_params=pltpu.CompilerParams(
            dimension_semantics=("arbitrary",)),
    )(x, wt, b.reshape(1, dout))
    return out, st


def _h1stats_body(g_ref, u_ref, st_ref):
    u = u_ref[...]
    i = pl.program_id(0)

    @pl.when(i == 0)
    def _():
        st_ref[...] = jnp.zeros_like(st_ref)

    c = u.shape[1]
    acc_s = jnp.zeros((1, c), jnp.float32)
    acc_q = jnp.zeros((1, c), jnp.float32)
    for s in range(KNN):
        h = jnp.maximum(g_ref[:, s, :] + u, 0.0)
        acc_s += jnp.sum(h, axis=0, keepdims=True)
        acc_q += jnp.sum(h * h, axis=0, keepdims=True)
    st_ref[0:1, :] += acc_s
    st_ref[1:2, :] += acc_q


def _h1stats(g3, u):
    n, _, c2 = g3.shape
    c = c2 // 2
    rb = 256
    return pl.pallas_call(
        _h1stats_body,
        grid=(n // rb,),
        in_specs=[
            pl.BlockSpec((rb, KPAD, c), lambda i: (i, 0, 1)),
            pl.BlockSpec((rb, c), lambda i: (i, 0)),
        ],
        out_specs=pl.BlockSpec((8, c), lambda i: (0, 0)),
        out_shape=jax.ShapeDtypeStruct((8, c), jnp.float32),
        compiler_params=pltpu.CompilerParams(
            dimension_semantics=("arbitrary",)),
    )(g3, u)


def _h2max_body(g_ref, u_ref, w_ref, b_ref, mx_ref, mn_ref, st_ref):
    u = u_ref[...]
    rb, c = u.shape
    w = w_ref[...]
    b = b_ref[...]
    i = pl.program_id(0)

    @pl.when(i == 0)
    def _():
        st_ref[...] = jnp.zeros_like(st_ref)

    acc_s = jnp.zeros((1, c), jnp.float32)
    acc_q = jnp.zeros((1, c), jnp.float32)
    mx = None
    mn = None
    for s in range(KNN):
        h1s = jnp.maximum(g_ref[:, s, :] + u, 0.0)
        h2s = jnp.maximum(
            jnp.dot(h1s, w, preferred_element_type=jnp.float32,
                    precision=lax.Precision.HIGHEST) + b, 0.0)
        acc_s += jnp.sum(h2s, axis=0, keepdims=True)
        acc_q += jnp.sum(h2s * h2s, axis=0, keepdims=True)
        mx = h2s if mx is None else jnp.maximum(mx, h2s)
        mn = h2s if mn is None else jnp.minimum(mn, h2s)
    st_ref[0:1, :] += acc_s
    st_ref[1:2, :] += acc_q
    mx_ref[...] = mx
    mn_ref[...] = mn


def _h2max(g3, u, wt, b):
    n, _, c2 = g3.shape
    c = c2 // 2
    rb = 256
    return pl.pallas_call(
        _h2max_body,
        grid=(n // rb,),
        in_specs=[
            pl.BlockSpec((rb, KPAD, c), lambda i: (i, 0, 1)),
            pl.BlockSpec((rb, c), lambda i: (i, 0)),
            pl.BlockSpec((c, c), lambda i: (0, 0)),
            pl.BlockSpec((1, c), lambda i: (0, 0)),
        ],
        out_specs=[
            pl.BlockSpec((rb, c), lambda i: (i, 0)),
            pl.BlockSpec((rb, c), lambda i: (i, 0)),
            pl.BlockSpec((8, c), lambda i: (0, 0)),
        ],
        out_shape=[
            jax.ShapeDtypeStruct((n, c), jnp.float32),
            jax.ShapeDtypeStruct((n, c), jnp.float32),
            jax.ShapeDtypeStruct((8, c), jnp.float32),
        ],
        compiler_params=pltpu.CompilerParams(
            dimension_semantics=("arbitrary",)),
    )(g3, u, wt, b.reshape(1, c))


def _affsel_body(mx_ref, mn_ref, s_ref, t_ref, o_ref):
    s = s_ref[...]
    t = t_ref[...]
    o_ref[...] = jnp.where(s > 0, s * mx_ref[...] + t, s * mn_ref[...] + t)


def _affsel(mx, mn, s, t):
    n, c = mx.shape
    rb = 1024
    return pl.pallas_call(
        _affsel_body,
        grid=(n // rb,),
        in_specs=[
            pl.BlockSpec((rb, c), lambda i: (i, 0)),
            pl.BlockSpec((rb, c), lambda i: (i, 0)),
            pl.BlockSpec((1, c), lambda i: (0, 0)),
            pl.BlockSpec((1, c), lambda i: (0, 0)),
        ],
        out_specs=pl.BlockSpec((rb, c), lambda i: (i, 0)),
        out_shape=jax.ShapeDtypeStruct((n, c), jnp.float32),
    )(mx, mn, s.reshape(1, c), t.reshape(1, c))


def _out_body(x_ref, w_ref, b_ref, o_ref):
    z = jnp.dot(x_ref[...], w_ref[...],
                preferred_element_type=jnp.float32, precision=lax.Precision.HIGHEST) + b_ref[...]
    m = jnp.max(z, axis=1, keepdims=True)
    lse = jnp.log(jnp.sum(jnp.exp(z - m), axis=1, keepdims=True)) + m
    o_ref[...] = z - lse


def _out_proj(x, wt, b):
    n, din = x.shape
    dout = wt.shape[1]
    rb = 512
    return pl.pallas_call(
        _out_body,
        grid=(n // rb,),
        in_specs=[
            pl.BlockSpec((rb, din), lambda i: (i, 0)),
            pl.BlockSpec((din, dout), lambda i: (0, 0)),
            pl.BlockSpec((1, dout), lambda i: (0, 0)),
        ],
        out_specs=pl.BlockSpec((rb, dout), lambda i: (i, 0)),
        out_shape=jax.ShapeDtypeStruct((n, dout), jnp.float32),
    )(x, wt, b.reshape(1, dout))


def _bn_affine(st, count, g, be):
    mean = st[0] / count
    var = st[1] / count - mean * mean
    s = g / jnp.sqrt(var + EPS)
    t = be - mean * s
    return s, t


def _sc_gather(v, idx2d):
    nrow, c = v.shape
    nch_total, ch = idx2d.shape
    e = nch_total * ch
    info = plsc.get_sparse_core_info()
    nc, ns = info.num_cores, info.num_subcores
    nw = nc * ns
    nch = nch_total // nw
    per_w = nch * ch
    mesh = plsc.VectorSubcoreMesh(core_axis_name="c", subcore_axis_name="s")

    @functools.partial(
        pl.kernel, mesh=mesh,
        out_type=jax.ShapeDtypeStruct((e, c), jnp.float32),
        scratch_types=[
            pltpu.VMEM((nch, ch), jnp.int32),
            pltpu.VMEM((ch, c), jnp.float32),
            pltpu.VMEM((ch, c), jnp.float32),
            pltpu.SemaphoreType.DMA,
            pltpu.SemaphoreType.DMA,
        ],
    )
    def k(v_hbm, idx_hbm, out_hbm, idx_v, buf0, buf1, sem0, sem1):
        wid = lax.axis_index("s") * nc + lax.axis_index("c")
        base = wid * per_w
        pltpu.sync_copy(idx_hbm.at[pl.ds(wid * nch, nch)], idx_v)

        def gather(ci, buf, sem):
            pltpu.async_copy(v_hbm.at[idx_v.at[ci]], buf, sem)

        def wait_store(ci, buf, sem):
            pltpu.make_async_copy(v_hbm.at[idx_v.at[0]], buf, sem).wait()
            pltpu.sync_copy(buf, out_hbm.at[pl.ds(base + ci * ch, ch)])

        gather(0, buf0, sem0)

        def body(i, _):
            c0 = 2 * i

            @pl.when(c0 + 1 < nch)
            def _():
                gather(c0 + 1, buf1, sem1)

            wait_store(c0, buf0, sem0)

            @pl.when(c0 + 2 < nch)
            def _():
                gather(c0 + 2, buf0, sem0)

            @pl.when(c0 + 1 < nch)
            def _():
                wait_store(c0 + 1, buf1, sem1)

            return 0

        lax.fori_loop(0, (nch + 1) // 2, body, 0)

    return k(v, idx2d)


def _gather_rows(v, idx):
    n, c = v.shape
    flat = idx.reshape(-1, 128)
    return _sc_gather(v, flat).reshape(idx.shape[0], KPAD, c)


def _edge_conv(x, batch, blocks):
    n, d = x.shape
    p1, p2 = blocks
    c = p1['W'].shape[0]
    dp = max(8, d)
    xp = jnp.pad(x, ((0, 0), (0, dp - d))) if dp != d else x

    idx = _knn(xp, batch)

    w1a = p1['W'][:, :d]
    w1b = p1['W'][:, d:]
    wcat = jnp.concatenate([(w1a - w1b).T, w1b.T], axis=1)
    wcat = jnp.pad(wcat, ((0, dp - d), (0, 0)))
    bcat = jnp.concatenate([p1['b'], jnp.zeros_like(p1['b'])])
    uv, _ = _mm(xp, wcat, bcat, relu=False, stats=False)
    u = uv[:, :c]

    g3 = _gather_rows(uv, idx)

    st1 = _h1stats(g3, u)
    s1, t1 = _bn_affine(st1, n * KNN, p1['g'], p1['be'])

    w2eff = (p2['W'] * s1[None, :]).T
    b2eff = p2['b'] + p2['W'] @ t1
    mx, mn, st2 = _h2max(g3, u, w2eff, b2eff)
    s2, t2 = _bn_affine(st2, n * KNN, p2['g'], p2['be'])
    return _affsel(mx, mn, s2, t2)


def _edge_conv_jaxref(x, batch, blocks, k=KNN):
    xs = jnp.sum(x * x, axis=1)
    dm = xs[:, None] + xs[None, :] - 2.0 * (x @ x.T)
    dm = jnp.where(batch[:, None] != batch[None, :], jnp.inf, dm)
    _, idx = jax.lax.top_k(-dm, k)
    xj = x[idx]
    xi = jnp.broadcast_to(x[:, None, :], xj.shape)
    msg = jnp.concatenate([xi, xj - xi], axis=-1)
    nn = x.shape[0]
    h = msg.reshape(nn * k, -1)
    for p in blocks:
        h = h @ p['W'].T + p['b']
        h = jax.nn.relu(h)
        m = jnp.mean(h, axis=0)
        v = jnp.var(h, axis=0)
        h = p['g'] * (h - m) / jnp.sqrt(v + EPS) + p['be']
    h = h.reshape(nn, k, -1)
    return jnp.max(h, axis=1)


def kernel(x, pos, params, batch):
    n = x.shape[0]
    x0 = jnp.concatenate([x, pos], axis=-1)
    x1 = _edge_conv_jaxref(x0, batch, params['conv1'])
    x2 = _edge_conv_jaxref(x1, batch, params['conv2'])
    x3 = _edge_conv_jaxref(x2, batch, params['conv3'])
    h = jnp.concatenate([x1, x2, x3], axis=1)

    p = params['lin1']
    h1, st = _mm(h, p['W'].T, p['b'], relu=True, stats=True)
    s, t = _bn_affine(st, n, p['g'], p['be'])

    p = params['head1']
    h2, st = _mm(h1, (p['W'] * s[None, :]).T, p['b'] + p['W'] @ t,
                 relu=True, stats=True)
    s, t = _bn_affine(st, n, p['g'], p['be'])

    p = params['head2']
    h3, st = _mm(h2, (p['W'] * s[None, :]).T, p['b'] + p['W'] @ t,
                 relu=True, stats=True)
    s, t = _bn_affine(st, n, p['g'], p['be'])

    po = params['out']
    wo = po['W'] * s[None, :]
    bo = po['b'] + po['W'] @ t
    dpad = 64 - wo.shape[0]
    wo = jnp.pad(wo, ((0, dpad), (0, 0)))
    bo = jnp.concatenate([bo, jnp.full((dpad,), NEG, jnp.float32)])
    z = _out_proj(h3, wo.T, bo)
    return z[:, :po['W'].shape[0]]

# --- scband reference (transcript-rebuilt; emitter-appended) ---
"""Pipeline reference for scband-net-60009283059829 (READ-ONLY COPY).

The authoritative reference and input builder live on the scoring server;
editing this copy changes nothing except your own understanding.
"""

import jax, jax.numpy as jnp
import numpy as np

EPS = 1e-5
K = 30


def _bn(h, g, b):
    # BatchNorm1d in training mode: batch statistics over dim 0
    m = jnp.mean(h, axis=0)
    v = jnp.var(h, axis=0)
    return g * (h - m) / jnp.sqrt(v + EPS) + b


def _mlp_block(h, p):
    h = h @ p['W'].T + p['b']
    h = jax.nn.relu(h)
    return _bn(h, p['g'], p['be'])


def _knn_idx(x, batch, k):
    # kNN in feature space, restricted to points of the same cloud (batch id).
    # Includes self (PyG torch_cluster.knn with x==y includes the point itself).
    xs = jnp.sum(x * x, axis=1)
    D = xs[:, None] + xs[None, :] - 2.0 * (x @ x.T)
    mask = batch[:, None] != batch[None, :]
    D = jnp.where(mask, jnp.inf, D)
    _, idx = jax.lax.top_k(-D, k)
    return idx


def _edge_conv(x, batch, blocks, k):
    idx = _knn_idx(jax.lax.stop_gradient(x), batch, k)  # [N, k] (indices non-differentiable)
    xj = x[idx]                                          # gather neighbors [N, k, d]
    xi = jnp.broadcast_to(x[:, None, :], xj.shape)
    msg = jnp.concatenate([xi, xj - xi], axis=-1)        # [N, k, 2d]
    N = x.shape[0]
    h = msg.reshape(N * k, -1)
    for p in blocks:
        h = _mlp_block(h, p)
    h = h.reshape(N, k, -1)
    return jnp.max(h, axis=1)                            # aggr='max'


def _block_params(key, in_d, out_d):
    k1, _ = jax.random.split(key)
    return {'W': jax.random.normal(k1, (out_d, in_d), jnp.float32) / np.sqrt(in_d),
            'b': jnp.zeros((out_d,), jnp.float32),
            'g': jnp.ones((out_d,), jnp.float32),
            'be': jnp.zeros((out_d,), jnp.float32)}


def setup_inputs(seed: int = 0) -> dict:
    key = jax.random.key(seed)
    ks = jax.random.split(key, 16)
    N, B = 8192, 8
    x = jax.random.normal(ks[0], (N, 3), jnp.float32)
    pos = jax.random.normal(ks[1], (N, 3), jnp.float32)
    batch = jnp.sort(jax.random.randint(ks[2], (N,), 0, B)).astype(jnp.int32)
    params = {
        'conv1': [_block_params(ks[3], 12, 64), _block_params(ks[4], 64, 64)],
        'conv2': [_block_params(ks[5], 128, 64), _block_params(ks[6], 64, 64)],
        'conv3': [_block_params(ks[7], 128, 64), _block_params(ks[8], 64, 64)],
        'lin1': _block_params(ks[9], 192, 1024),
        'head1': _block_params(ks[10], 1024, 256),
        'head2': _block_params(ks[11], 256, 128),
        'out': {'W': jax.random.normal(ks[12], (50, 128), jnp.float32) / np.sqrt(128),
                'b': jnp.zeros((50,), jnp.float32)},
    }
    return {'x': x, 'pos': pos, 'params': params, 'batch': batch}


def reference(x, pos, params, batch):
    x0 = jnp.concatenate([x, pos], axis=-1)              # [N, 6]
    x1 = _edge_conv(x0, batch, params['conv1'], K)
    x2 = _edge_conv(x1, batch, params['conv2'], K)
    x3 = _edge_conv(x2, batch, params['conv3'], K)
    h = jnp.concatenate([x1, x2, x3], axis=1)            # [N, 192]
    h = _mlp_block(h, params['lin1'])                    # [N, 1024]
    h = _mlp_block(h, params['head1'])                   # [N, 256] (dropout = identity, eval)
    h = _mlp_block(h, params['head2'])                   # [N, 128] (dropout = identity, eval)
    h = h @ params['out']['W'].T + params['out']['b']    # [N, 50]
    return jax.nn.log_softmax(h, axis=1)

if __name__ == "__main__":
    import jax
    _d = setup_inputs()
    print(jax.jit(kernel)(*tuple(_d.values())))

</pallas_src>

<mosaic_0001>
module attributes {stable_mosaic.version = 14 : i64} {
  func.func @_mm_body(%arg0: i32, %arg1: memref<512x192xf32, #tpu.memory_space<vmem>>, %arg2: memref<192x1024xf32, #tpu.memory_space<vmem>>, %arg3: memref<1x1024xf32, #tpu.memory_space<vmem>>, %arg4: memref<512x1024xf32, #tpu.memory_space<vmem>>, %arg5: memref<8x1024xf32, #tpu.memory_space<vmem>>) attributes {dimension_semantics = [#tpu.dimension_semantics<arbitrary>], iteration_bounds = array<i64: 16>, scalar_prefetch = 0 : i64, scratch_operands = 0 : i64, tpu.core_type = #tpu.core_type<tc>, window_params = [{transform_indices = @transform_0, window_bounds = array<i64: 512, 192>}, {pipeline_mode = #tpu.pipeline_mode<synchronous>, transform_indices = @transform_1, window_bounds = array<i64: 192, 1024>}, {pipeline_mode = #tpu.pipeline_mode<synchronous>, transform_indices = @transform_2, window_bounds = array<i64: 1, 1024>}, {transform_indices = @transform_3, window_bounds = array<i64: 512, 1024>}, {pipeline_mode = #tpu.pipeline_mode<synchronous>, transform_indices = @transform_4, window_bounds = array<i64: 8, 1024>}]} {
    %get3A = arith.constant 0 : index
    %get3A_0 = arith.constant 0 : index
    %get3A_1 = vector.load %arg1[%get3A, %get3A_0] : memref<512x192xf32, #tpu.memory_space<vmem>>, vector<512x192xf32>
    %get3A_2 = arith.constant 0 : index
    %get3A_3 = arith.constant 0 : index
    %get3A_4 = vector.load %arg2[%get3A_2, %get3A_3] : memref<192x1024xf32, #tpu.memory_space<vmem>>, vector<192x1024xf32>
    %dot_general3A = arith.constant dense<0.000000e+00> : vector<512x1024xf32>
    %dot_general3A_5 = tpu.matmul %get3A_1, %get3A_4, %dot_general3A {dimension_numbers = #tpu.dot_dimension_numbers<[1], [0], [0], [1], [0, 0, 1, 1], [], []>, precision = #tpu.contract_precision<fp32>, transpose_lhs_hint = false} : vector<512x192xf32>, vector<192x1024xf32>, vector<512x1024xf32> -> vector<512x1024xf32>
    %get3A_6 = arith.constant 0 : index
    %get3A_7 = arith.constant 0 : index
    %get3A_8 = vector.load %arg3[%get3A_6, %get3A_7] : memref<1x1024xf32, #tpu.memory_space<vmem>>, vector<1x1024xf32>
    %add3A = vector.broadcast %get3A_8 : vector<1x1024xf32> to vector<512x1024xf32>
    %add3A_9 = arith.addf %dot_general3A_5, %add3A : vector<512x1024xf32>
    %max3A = arith.constant 0.000000e+00 : f32
    %max3A_10 = vector.broadcast %max3A : f32 to vector<512x1024xf32>
    %max3A_11 = arith.maximumf %add3A_9, %max3A_10 : vector<512x1024xf32>
    %swap3A = arith.constant 0 : index
    %swap3A_12 = arith.constant 0 : index
    %swap3A_13 = vector.load %arg4[%swap3A, %swap3A_12] : memref<512x1024xf32, #tpu.memory_space<vmem>>, vector<512x1024xf32>
    tpu.vector_store %arg4[%swap3A, %swap3A_12], %max3A_11 {strides = array<i32>} : memref<512x1024xf32, #tpu.memory_space<vmem>>, vector<512x1024xf32>,
    %eq3A = arith.constant 0 : i32
    %eq3A_14 = arith.cmpi eq, %arg0, %eq3A : i32
    %convert_element_type3A = arith.extui %eq3A_14 : i1 to i32
    %cond3A = arith.constant 0 : i32
    %cond3A_15 = arith.cmpi ne, %convert_element_type3A, %cond3A : i32
    scf.if %cond3A_15 {
      %broadcast_in_dim3A_34 = arith.constant 0.000000e+00 : f32
      %broadcast_in_dim3A_35 = vector.broadcast %broadcast_in_dim3A_34 : f32 to vector<8x1024xf32>
      %swap3A_36 = arith.constant 0 : index
      %swap3A_37 = arith.constant 0 : index
      %swap3A_38 = vector.load %arg5[%swap3A_36, %swap3A_37] : memref<8x1024xf32, #tpu.memory_space<vmem>>, vector<8x1024xf32>
      tpu.vector_store %arg5[%swap3A_36, %swap3A_37], %broadcast_in_dim3A_35 {strides = array<i32>} : memref<8x1024xf32, #tpu.memory_space<vmem>>, vector<8x1024xf32>,
    } else {
    }
    %get3A_16 = arith.constant 0 : index
    %get3A_17 = arith.constant 0 : index
    %get3A_18 = vector.load %arg5[%get3A_16, %get3A_17] : memref<8x1024xf32, #tpu.memory_space<vmem>>, vector<1x1024xf32>
    %reduce_sum3A = arith.constant dense<0.000000e+00> : vector<1024xf32>
    %reduce_sum3A_19 = vector.multi_reduction <add>, %max3A_11, %reduce_sum3A [0] : vector<512x1024xf32> to vector<1024xf32>
    %broadcast_in_dim3A = vector.shape_cast %reduce_sum3A_19 : vector<1024xf32> to vector<1x1024xf32>
    %add3A_20 = arith.addf %get3A_18, %broadcast_in_dim3A : vector<1x1024xf32>
    %swap3A_21 = arith.constant 0 : index
    %swap3A_22 = arith.constant 0 : index
    %swap3A_23 = vector.load %arg5[%swap3A_21, %swap3A_22] : memref<8x1024xf32, #tpu.memory_space<vmem>>, vector<1x1024xf32>
    tpu.vector_store %arg5[%swap3A_21, %swap3A_22], %add3A_20 {strides = array<i32>} : memref<8x1024xf32, #tpu.memory_space<vmem>>, vector<1x1024xf32>,
    %get3A_24 = arith.constant 1 : index
    %get3A_25 = arith.constant 0 : index
    %get3A_26 = vector.load %arg5[%get3A_24, %get3A_25] : memref<8x1024xf32, #tpu.memory_space<vmem>>, vector<1x1024xf32>
    %mul3A = arith.mulf %max3A_11, %max3A_11 : vector<512x1024xf32>
    %reduce_sum3A_27 = arith.constant dense<0.000000e+00> : vector<1024xf32>
    %reduce_sum3A_28 = vector.multi_reduction <add>, %mul3A, %reduce_sum3A_27 [0] : vector<512x1024xf32> to vector<1024xf32>
    %broadcast_in_dim3A_29 = vector.shape_cast %reduce_sum3A_28 : vector<1024xf32> to vector<1x1024xf32>
    %add3A_30 = arith.addf %get3A_26, %broadcast_in_dim3A_29 : vector<1x1024xf32>
    %swap3A_31 = arith.constant 1 : index
    %swap3A_32 = arith.constant 0 : index
    %swap3A_33 = vector.load %arg5[%swap3A_31, %swap3A_32] : memref<8x1024xf32, #tpu.memory_space<vmem>>, vector<1x1024xf32>
    tpu.vector_store %arg5[%swap3A_31, %swap3A_32], %add3A_30 {strides = array<i32>} : memref<8x1024xf32, #tpu.memory_space<vmem>>, vector<1x1024xf32>,
    return
  }
  func.func @transform_0(%arg0: i32) -> (i32, i32) {
    %c0_i32 = arith.constant 0 : i32
    %c0_i32_0 = arith.constant 0 : i32
    return %arg0, %c0_i32 : i32, i32
  }
  func.func @transform_1(%arg0: i32) -> (i32, i32) {
    %c0_i32 = arith.constant 0 : i32
    %c0_i32_0 = arith.constant 0 : i32
    %c0_i32_1 = arith.constant 0 : i32
    return %c0_i32, %c0_i32_0 : i32, i32
  }
  func.func @transform_2(%arg0: i32) -> (i32, i32) {
    %c0_i32 = arith.constant 0 : i32
    %c0_i32_0 = arith.constant 0 : i32
    %c0_i32_1 = arith.constant 0 : i32
    return %c0_i32, %c0_i32_0 : i32, i32
  }
  func.func @transform_3(%arg0: i32) -> (i32, i32) {
    %c0_i32 = arith.constant 0 : i32
    %c0_i32_0 = arith.constant 0 : i32
    return %arg0, %c0_i32 : i32, i32
  }
  func.func @transform_4(%arg0: i32) -> (i32, i32) {
    %c0_i32 = arith.constant 0 : i32
    %c0_i32_0 = arith.constant 0 : i32
    %c0_i32_1 = arith.constant 0 : i32
    return %c0_i32, %c0_i32_0 : i32, i32
  }
}

module attributes {stable_mosaic.version = 14 : i64} {
  func.func @_mm_body(%arg0: i32, %arg1: memref<512x1024xf32, #tpu.memory_space<vmem>>, %arg2: memref<1024x256xf32, #tpu.memory_space<vmem>>, %arg3: memref<1x256xf32, #tpu.memory_space<vmem>>, %arg4: memref<512x256xf32, #tpu.memory_space<vmem>>, %arg5: memref<8x256xf32, #tpu.memory_space<vmem>>) attributes {dimension_semantics = [#tpu.dimension_semantics<arbitrary>], iteration_bounds = array<i64: 16>, scalar_prefetch = 0 : i64, scratch_operands = 0 : i64, tpu.core_type = #tpu.core_type<tc>, window_params = [{transform_indices = @transform_0, window_bounds = array<i64: 512, 1024>}, {pipeline_mode = #tpu.pipeline_mode<synchronous>, transform_indices = @transform_1, window_bounds = array<i64: 1024, 256>}, {pipeline_mode = #tpu.pipeline_mode<synchronous>, transform_indices = @transform_2, window_bounds = array<i64: 1, 256>}, {transform_indices = @transform_3, window_bounds = array<i64: 512, 256>}, {pipeline_mode = #tpu.pipeline_mode<synchronous>, transform_indices = @transform_4, window_bounds = array<i64: 8, 256>}]} {
    %get3A = arith.constant 0 : index
    %get3A_0 = arith.constant 0 : index
    %get3A_1 = vector.load %arg1[%get3A, %get3A_0] : memref<512x1024xf32, #tpu.memory_space<vmem>>, vector<512x1024xf32>
    %get3A_2 = arith.constant 0 : index
    %get3A_3 = arith.constant 0 : index
    %get3A_4 = vector.load %arg2[%get3A_2, %get3A_3] : memref<1024x256xf32, #tpu.memory_space<vmem>>, vector<1024x256xf32>
    %dot_general3A = arith.constant dense<0.000000e+00> : vector<512x256xf32>
    %dot_general3A_5 = tpu.matmul %get3A_1, %get3A_4, %dot_general3A {dimension_numbers = #tpu.dot_dimension_numbers<[1], [0], [0], [1], [0, 0, 1, 1], [], []>, precision = #tpu.contract_precision<fp32>, transpose_lhs_hint = false} : vector<512x1024xf32>, vector<1024x256xf32>, vector<512x256xf32> -> vector<512x256xf32>
    %get3A_6 = arith.constant 0 : index
    %get3A_7 = arith.constant 0 : index
    %get3A_8 = vector.load %arg3[%get3A_6, %get3A_7] : memref<1x256xf32, #tpu.memory_space<vmem>>, vector<1x256xf32>
    %add3A = vector.broadcast %get3A_8 : vector<1x256xf32> to vector<512x256xf32>
    %add3A_9 = arith.addf %dot_general3A_5, %add3A : vector<512x256xf32>
    %max3A = arith.constant 0.000000e+00 : f32
    %max3A_10 = vector.broadcast %max3A : f32 to vector<512x256xf32>
    %max3A_11 = arith.maximumf %add3A_9, %max3A_10 : vector<512x256xf32>
    %swap3A = arith.constant 0 : index
    %swap3A_12 = arith.constant 0 : index
    %swap3A_13 = vector.load %arg4[%swap3A, %swap3A_12] : memref<512x256xf32, #tpu.memory_space<vmem>>, vector<512x256xf32>
    tpu.vector_store %arg4[%swap3A, %swap3A_12], %max3A_11 {strides = array<i32>} : memref<512x256xf32, #tpu.memory_space<vmem>>, vector<512x256xf32>,
    %eq3A = arith.constant 0 : i32
    %eq3A_14 = arith.cmpi eq, %arg0, %eq3A : i32
    %convert_element_type3A = arith.extui %eq3A_14 : i1 to i32
    %cond3A = arith.constant 0 : i32
    %cond3A_15 = arith.cmpi ne, %convert_element_type3A, %cond3A : i32
    scf.if %cond3A_15 {
      %broadcast_in_dim3A_34 = arith.constant 0.000000e+00 : f32
      %broadcast_in_dim3A_35 = vector.broadcast %broadcast_in_dim3A_34 : f32 to vector<8x256xf32>
      %swap3A_36 = arith.constant 0 : index
      %swap3A_37 = arith.constant 0 : index
      %swap3A_38 = vector.load %arg5[%swap3A_36, %swap3A_37] : memref<8x256xf32, #tpu.memory_space<vmem>>, vector<8x256xf32>
      tpu.vector_store %arg5[%swap3A_36, %swap3A_37], %broadcast_in_dim3A_35 {strides = array<i32>} : memref<8x256xf32, #tpu.memory_space<vmem>>, vector<8x256xf32>,
    } else {
    }
    %get3A_16 = arith.constant 0 : index
    %get3A_17 = arith.constant 0 : index
    %get3A_18 = vector.load %arg5[%get3A_16, %get3A_17] : memref<8x256xf32, #tpu.memory_space<vmem>>, vector<1x256xf32>
    %reduce_sum3A = arith.constant dense<0.000000e+00> : vector<256xf32>
    %reduce_sum3A_19 = vector.multi_reduction <add>, %max3A_11, %reduce_sum3A [0] : vector<512x256xf32> to vector<256xf32>
    %broadcast_in_dim3A = vector.shape_cast %reduce_sum3A_19 : vector<256xf32> to vector<1x256xf32>
    %add3A_20 = arith.addf %get3A_18, %broadcast_in_dim3A : vector<1x256xf32>
    %swap3A_21 = arith.constant 0 : index
    %swap3A_22 = arith.constant 0 : index
    %swap3A_23 = vector.load %arg5[%swap3A_21, %swap3A_22] : memref<8x256xf32, #tpu.memory_space<vmem>>, vector<1x256xf32>
    tpu.vector_store %arg5[%swap3A_21, %swap3A_22], %add3A_20 {strides = array<i32>} : memref<8x256xf32, #tpu.memory_space<vmem>>, vector<1x256xf32>,
    %get3A_24 = arith.constant 1 : index
    %get3A_25 = arith.constant 0 : index
    %get3A_26 = vector.load %arg5[%get3A_24, %get3A_25] : memref<8x256xf32, #tpu.memory_space<vmem>>, vector<1x256xf32>
    %mul3A = arith.mulf %max3A_11, %max3A_11 : vector<512x256xf32>
    %reduce_sum3A_27 = arith.constant dense<0.000000e+00> : vector<256xf32>
    %reduce_sum3A_28 = vector.multi_reduction <add>, %mul3A, %reduce_sum3A_27 [0] : vector<512x256xf32> to vector<256xf32>
    %broadcast_in_dim3A_29 = vector.shape_cast %reduce_sum3A_28 : vector<256xf32> to vector<1x256xf32>
    %add3A_30 = arith.addf %get3A_26, %broadcast_in_dim3A_29 : vector<1x256xf32>
    %swap3A_31 = arith.constant 1 : index
    %swap3A_32 = arith.constant 0 : index
    %swap3A_33 = vector.load %arg5[%swap3A_31, %swap3A_32] : memref<8x256xf32, #tpu.memory_space<vmem>>, vector<1x256xf32>
    tpu.vector_store %arg5[%swap3A_31, %swap3A_32], %add3A_30 {strides = array<i32>} : memref<8x256xf32, #tpu.memory_space<vmem>>, vector<1x256xf32>,
    return
  }
  func.func @transform_0(%arg0: i32) -> (i32, i32) {
    %c0_i32 = arith.constant 0 : i32
    %c0_i32_0 = arith.constant 0 : i32
    return %arg0, %c0_i32 : i32, i32
  }
  func.func @transform_1(%arg0: i32) -> (i32, i32) {
    %c0_i32 = arith.constant 0 : i32
    %c0_i32_0 = arith.constant 0 : i32
    %c0_i32_1 = arith.constant 0 : i32
    return %c0_i32, %c0_i32_0 : i32, i32
  }
  func.func @transform_2(%arg0: i32) -> (i32, i32) {
    %c0_i32 = arith.constant 0 : i32
    %c0_i32_0 = arith.constant 0 : i32
    %c0_i32_1 = arith.constant 0 : i32
    return %c0_i32, %c0_i32_0 : i32, i32
  }
  func.func @transform_3(%arg0: i32) -> (i32, i32) {
    %c0_i32 = arith.constant 0 : i32
    %c0_i32_0 = arith.constant 0 : i32
    return %arg0, %c0_i32 : i32, i32
  }
  func.func @transform_4(%arg0: i32) -> (i32, i32) {
    %c0_i32 = arith.constant 0 : i32
    %c0_i32_0 = arith.constant 0 : i32
    %c0_i32_1 = arith.constant 0 : i32
    return %c0_i32, %c0_i32_0 : i32, i32
  }
}

module attributes {stable_mosaic.version = 14 : i64} {
  func.func @_mm_body(%arg0: i32, %arg1: memref<512x256xf32, #tpu.memory_space<vmem>>, %arg2: memref<256x128xf32, #tpu.memory_space<vmem>>, %arg3: memref<1x128xf32, #tpu.memory_space<vmem>>, %arg4: memref<512x128xf32, #tpu.memory_space<vmem>>, %arg5: memref<8x128xf32, #tpu.memory_space<vmem>>) attributes {dimension_semantics = [#tpu.dimension_semantics<arbitrary>], iteration_bounds = array<i64: 16>, scalar_prefetch = 0 : i64, scratch_operands = 0 : i64, tpu.core_type = #tpu.core_type<tc>, window_params = [{transform_indices = @transform_0, window_bounds = array<i64: 512, 256>}, {pipeline_mode = #tpu.pipeline_mode<synchronous>, transform_indices = @transform_1, window_bounds = array<i64: 256, 128>}, {pipeline_mode = #tpu.pipeline_mode<synchronous>, transform_indices = @transform_2, window_bounds = array<i64: 1, 128>}, {transform_indices = @transform_3, window_bounds = array<i64: 512, 128>}, {pipeline_mode = #tpu.pipeline_mode<synchronous>, transform_indices = @transform_4, window_bounds = array<i64: 8, 128>}]} {
    %get3A = arith.constant 0 : index
    %get3A_0 = arith.constant 0 : index
    %get3A_1 = vector.load %arg1[%get3A, %get3A_0] : memref<512x256xf32, #tpu.memory_space<vmem>>, vector<512x256xf32>
    %get3A_2 = arith.constant 0 : index
    %get3A_3 = arith.constant 0 : index
    %get3A_4 = vector.load %arg2[%get3A_2, %get3A_3] : memref<256x128xf32, #tpu.memory_space<vmem>>, vector<256x128xf32>
    %dot_general3A = arith.constant dense<0.000000e+00> : vector<512x128xf32>
    %dot_general3A_5 = tpu.matmul %get3A_1, %get3A_4, %dot_general3A {dimension_numbers = #tpu.dot_dimension_numbers<[1], [0], [0], [1], [0, 0, 1, 1], [], []>, precision = #tpu.contract_precision<fp32>, transpose_lhs_hint = false} : vector<512x256xf32>, vector<256x128xf32>, vector<512x128xf32> -> vector<512x128xf32>
    %get3A_6 = arith.constant 0 : index
    %get3A_7 = arith.constant 0 : index
    %get3A_8 = vector.load %arg3[%get3A_6, %get3A_7] : memref<1x128xf32, #tpu.memory_space<vmem>>, vector<1x128xf32>
    %add3A = vector.broadcast %get3A_8 : vector<1x128xf32> to vector<512x128xf32>
    %add3A_9 = arith.addf %dot_general3A_5, %add3A : vector<512x128xf32>
    %max3A = arith.constant 0.000000e+00 : f32
    %max3A_10 = vector.broadcast %max3A : f32 to vector<512x128xf32>
    %max3A_11 = arith.maximumf %add3A_9, %max3A_10 : vector<512x128xf32>
    %swap3A = arith.constant 0 : index
    %swap3A_12 = arith.constant 0 : index
    %swap3A_13 = vector.load %arg4[%swap3A, %swap3A_12] : memref<512x128xf32, #tpu.memory_space<vmem>>, vector<512x128xf32>
    tpu.vector_store %arg4[%swap3A, %swap3A_12], %max3A_11 {strides = array<i32>} : memref<512x128xf32, #tpu.memory_space<vmem>>, vector<512x128xf32>,
    %eq3A = arith.constant 0 : i32
    %eq3A_14 = arith.cmpi eq, %arg0, %eq3A : i32
    %convert_element_type3A = arith.extui %eq3A_14 : i1 to i32
    %cond3A = arith.constant 0 : i32
    %cond3A_15 = arith.cmpi ne, %convert_element_type3A, %cond3A : i32
    scf.if %cond3A_15 {
      %broadcast_in_dim3A_34 = arith.constant 0.000000e+00 : f32
      %broadcast_in_dim3A_35 = vector.broadcast %broadcast_in_dim3A_34 : f32 to vector<8x128xf32>
      %swap3A_36 = arith.constant 0 : index
      %swap3A_37 = arith.constant 0 : index
      %swap3A_38 = vector.load %arg5[%swap3A_36, %swap3A_37] : memref<8x128xf32, #tpu.memory_space<vmem>>, vector<8x128xf32>
      tpu.vector_store %arg5[%swap3A_36, %swap3A_37], %broadcast_in_dim3A_35 {strides = array<i32>} : memref<8x128xf32, #tpu.memory_space<vmem>>, vector<8x128xf32>,
    } else {
    }
    %get3A_16 = arith.constant 0 : index
    %get3A_17 = arith.constant 0 : index
    %get3A_18 = vector.load %arg5[%get3A_16, %get3A_17] : memref<8x128xf32, #tpu.memory_space<vmem>>, vector<1x128xf32>
    %reduce_sum3A = arith.constant dense<0.000000e+00> : vector<128xf32>
    %reduce_sum3A_19 = vector.multi_reduction <add>, %max3A_11, %reduce_sum3A [0] : vector<512x128xf32> to vector<128xf32>
    %broadcast_in_dim3A = vector.shape_cast %reduce_sum3A_19 : vector<128xf32> to vector<1x128xf32>
    %add3A_20 = arith.addf %get3A_18, %broadcast_in_dim3A : vector<1x128xf32>
    %swap3A_21 = arith.constant 0 : index
    %swap3A_22 = arith.constant 0 : index
    %swap3A_23 = vector.load %arg5[%swap3A_21, %swap3A_22] : memref<8x128xf32, #tpu.memory_space<vmem>>, vector<1x128xf32>
    tpu.vector_store %arg5[%swap3A_21, %swap3A_22], %add3A_20 {strides = array<i32>} : memref<8x128xf32, #tpu.memory_space<vmem>>, vector<1x128xf32>,
    %get3A_24 = arith.constant 1 : index
    %get3A_25 = arith.constant 0 : index
    %get3A_26 = vector.load %arg5[%get3A_24, %get3A_25] : memref<8x128xf32, #tpu.memory_space<vmem>>, vector<1x128xf32>
    %mul3A = arith.mulf %max3A_11, %max3A_11 : vector<512x128xf32>
    %reduce_sum3A_27 = arith.constant dense<0.000000e+00> : vector<128xf32>
    %reduce_sum3A_28 = vector.multi_reduction <add>, %mul3A, %reduce_sum3A_27 [0] : vector<512x128xf32> to vector<128xf32>
    %broadcast_in_dim3A_29 = vector.shape_cast %reduce_sum3A_28 : vector<128xf32> to vector<1x128xf32>
    %add3A_30 = arith.addf %get3A_26, %broadcast_in_dim3A_29 : vector<1x128xf32>
    %swap3A_31 = arith.constant 1 : index
    %swap3A_32 = arith.constant 0 : index
    %swap3A_33 = vector.load %arg5[%swap3A_31, %swap3A_32] : memref<8x128xf32, #tpu.memory_space<vmem>>, vector<1x128xf32>
    tpu.vector_store %arg5[%swap3A_31, %swap3A_32], %add3A_30 {strides = array<i32>} : memref<8x128xf32, #tpu.memory_space<vmem>>, vector<1x128xf32>,
    return
  }
  func.func @transform_0(%arg0: i32) -> (i32, i32) {
    %c0_i32 = arith.constant 0 : i32
    %c0_i32_0 = arith.constant 0 : i32
    return %arg0, %c0_i32 : i32, i32
  }
  func.func @transform_1(%arg0: i32) -> (i32, i32) {
    %c0_i32 = arith.constant 0 : i32
    %c0_i32_0 = arith.constant 0 : i32
    %c0_i32_1 = arith.constant 0 : i32
    return %c0_i32, %c0_i32_0 : i32, i32
  }
  func.func @transform_2(%arg0: i32) -> (i32, i32) {
    %c0_i32 = arith.constant 0 : i32
    %c0_i32_0 = arith.constant 0 : i32
    %c0_i32_1 = arith.constant 0 : i32
    return %c0_i32, %c0_i32_0 : i32, i32
  }
  func.func @transform_3(%arg0: i32) -> (i32, i32) {
    %c0_i32 = arith.constant 0 : i32
    %c0_i32_0 = arith.constant 0 : i32
    return %arg0, %c0_i32 : i32, i32
  }
  func.func @transform_4(%arg0: i32) -> (i32, i32) {
    %c0_i32 = arith.constant 0 : i32
    %c0_i32_0 = arith.constant 0 : i32
    %c0_i32_1 = arith.constant 0 : i32
    return %c0_i32, %c0_i32_0 : i32, i32
  }
}

module attributes {stable_mosaic.version = 14 : i64} {
  func.func @_out_body(%arg0: i32, %arg1: memref<512x128xf32, #tpu.memory_space<vmem>>, %arg2: memref<128x64xf32, #tpu.memory_space<vmem>>, %arg3: memref<1x64xf32, #tpu.memory_space<vmem>>, %arg4: memref<512x64xf32, #tpu.memory_space<vmem>>) attributes {dimension_semantics = [#tpu.dimension_semantics<arbitrary>], iteration_bounds = array<i64: 16>, scalar_prefetch = 0 : i64, scratch_operands = 0 : i64, tpu.core_type = #tpu.core_type<tc>, window_params = [{transform_indices = @transform_0, window_bounds = array<i64: 512, 128>}, {pipeline_mode = #tpu.pipeline_mode<synchronous>, transform_indices = @transform_1, window_bounds = array<i64: 128, 64>}, {pipeline_mode = #tpu.pipeline_mode<synchronous>, transform_indices = @transform_2, window_bounds = array<i64: 1, 64>}, {transform_indices = @transform_3, window_bounds = array<i64: 512, 64>}]} {
    %get3A = arith.constant 0 : index
    %get3A_0 = arith.constant 0 : index
    %get3A_1 = vector.load %arg1[%get3A, %get3A_0] : memref<512x128xf32, #tpu.memory_space<vmem>>, vector<512x128xf32>
    %get3A_2 = arith.constant 0 : index
    %get3A_3 = arith.constant 0 : index
    %get3A_4 = vector.load %arg2[%get3A_2, %get3A_3] : memref<128x64xf32, #tpu.memory_space<vmem>>, vector<128x64xf32>
    %dot_general3A = arith.constant dense<0.000000e+00> : vector<512x64xf32>
    %dot_general3A_5 = tpu.matmul %get3A_1, %get3A_4, %dot_general3A {dimension_numbers = #tpu.dot_dimension_numbers<[1], [0], [0], [1], [0, 0, 1, 1], [], []>, precision = #tpu.contract_precision<fp32>, transpose_lhs_hint = false} : vector<512x128xf32>, vector<128x64xf32>, vector<512x64xf32> -> vector<512x64xf32>
    %get3A_6 = arith.constant 0 : index
    %get3A_7 = arith.constant 0 : index
    %get3A_8 = vector.load %arg3[%get3A_6, %get3A_7] : memref<1x64xf32, #tpu.memory_space<vmem>>, vector<1x64xf32>
    %add3A = vector.broadcast %get3A_8 : vector<1x64xf32> to vector<512x64xf32>
    %add3A_9 = arith.addf %dot_general3A_5, %add3A : vector<512x64xf32>
    %reduce_max3A = arith.constant dense<0xFF800000> : vector<512xf32>
    %reduce_max3A_10 = vector.multi_reduction <maximumf>, %add3A_9, %reduce_max3A [1] : vector<512x64xf32> to vector<512xf32>
    %broadcast_in_dim3A = vector.shape_cast %reduce_max3A_10 : vector<512xf32> to vector<512x1xf32>
    %sub3A = vector.broadcast %broadcast_in_dim3A : vector<512x1xf32> to vector<512x64xf32>
    %sub3A_11 = arith.subf %add3A_9, %sub3A : vector<512x64xf32>
    %exp3A = math.exp %sub3A_11 : vector<512x64xf32>
    %reduce_sum3A = arith.constant dense<0.000000e+00> : vector<512xf32>
    %reduce_sum3A_12 = vector.multi_reduction <add>, %exp3A, %reduce_sum3A [1] : vector<512x64xf32> to vector<512xf32>
    %broadcast_in_dim3A_13 = vector.shape_cast %reduce_sum3A_12 : vector<512xf32> to vector<512x1xf32>
    %log3A = math.log %broadcast_in_dim3A_13 : vector<512x1xf32>
    %add3A_14 = arith.addf %log3A, %broadcast_in_dim3A : vector<512x1xf32>
    %sub3A_15 = vector.broadcast %add3A_14 : vector<512x1xf32> to vector<512x64xf32>
    %sub3A_16 = arith.subf %add3A_9, %sub3A_15 : vector<512x64xf32>
    %swap3A = arith.constant 0 : index
    %swap3A_17 = arith.constant 0 : index
    %swap3A_18 = vector.load %arg4[%swap3A, %swap3A_17] : memref<512x64xf32, #tpu.memory_space<vmem>>, vector<512x64xf32>
    tpu.vector_store %arg4[%swap3A, %swap3A_17], %sub3A_16 {strides = array<i32>} : memref<512x64xf32, #tpu.memory_space<vmem>>, vector<512x64xf32>,
    return
  }
  func.func @transform_0(%arg0: i32) -> (i32, i32) {
    %c0_i32 = arith.constant 0 : i32
    %c0_i32_0 = arith.constant 0 : i32
    return %arg0, %c0_i32 : i32, i32
  }
  func.func @transform_1(%arg0: i32) -> (i32, i32) {
    %c0_i32 = arith.constant 0 : i32
    %c0_i32_0 = arith.constant 0 : i32
    %c0_i32_1 = arith.constant 0 : i32
    return %c0_i32, %c0_i32_0 : i32, i32
  }
  func.func @transform_2(%arg0: i32) -> (i32, i32) {
    %c0_i32 = arith.constant 0 : i32
    %c0_i32_0 = arith.constant 0 : i32
    %c0_i32_1 = arith.constant 0 : i32
    return %c0_i32, %c0_i32_0 : i32, i32
  }
  func.func @transform_3(%arg0: i32) -> (i32, i32) {
    %c0_i32 = arith.constant 0 : i32
    %c0_i32_0 = arith.constant 0 : i32
    return %arg0, %c0_i32 : i32, i32
  }
}

</mosaic_0001>

<sc_bundles>
// kernel: sparse-core-data-format-call.1.cloned.1.call-start
scs
called_computation.1_lowered:
.L_overlay_start_0:
0x0: {  	s1 =	sld [smem:$0x3FD9]  }
0x1: {  	s2 =	sld [smem:$0x3FFE];
	_ =	sdelay $0x1  }
0x2: {  	s3 =	srdreg.scid  }
0x3: {  	s0 =	sand.u32 $0x1, s3  }
0x4: {  	s17 =	sshll.u32 s0, $0xA;
	s1 =	sadd.s32 s2, s1  }
0x5: {  	s1 =	sadd.s32 s1, s17  }
0x6: {  	[smem:$0x3F9F] =	sst s1  }
0x7: {  	_ = 	snop  }
0x8: {  	(tm) =	ssettm $0x1  }
0x9: {  	s18 =	sld [smem:$0x3FFB];
	_ =	sdelay $0x3  }
0xa: {  	_ =	strace s18  }
0xb: {  	s1 =	sld [smem:$0x3FFC];
	_ =	sdelay $0x3  }
0xc: {  	_ =	strace s1  }
0xd: {  	s1 =	sld [smem:$0x3FFD];
	_ =	sdelay $0x3  }
0xe: {  	_ =	strace s1  }
0xf: {  	_ =	strace $0x8FFFFFFF  }
0x10: {  	s19 =	sld [smem:$0x3FDB];
	_ =	sdelay $0x1  }
0x11: {  	s20 =	simm.s32 $_scs_section_size  }
0x12: {  	s4 =	simm.s32 $_size__tile_overlayer_lowered;
	s5 =	simm.s32 $_tile_overlayer_lowered  }
0x13: {  	s23 =	simm.s32 $0x1BFF;
	s22 =	sshll.u32 s5, $0x1;
	s1 =	sadd.s32 s20, s19  }
0x14: {  	s6 =	simm.s32 $0x0;
	s21 =	sshll.u32 s4, $0x1;
	s4 =	sadd.s32 s22, s1  }
0x15: {  	[timem:s6], [sflag:s23] =	dma.local [hbm:s4], s21  }
0x16: {  	_ =	swait.ge [sflag:s23], s21  }
0x17: {  	s2 =	ssub.s32 $0x0, s21;
	[sflag:s23] =	ssyncset.done $0x0  }
0x18: {  	[sflag:s23] =	ssyncadd.s32 s2;
	_ =	sdelay $0x1  }
0x19: {  	s24 =	simm.s32 $0x1B8B  }
0x1a: {  	_ =	swait.ge [sflag:s24], $0x1  }
0x1b: {  	[sflag:s24] =	ssyncset.done $0x0  }
0x1c: {  	s26 =	simm.s32 $0x1B8E;
	s25 =	sld [smem:$0x3FFE];
	[sflag:s24] =	ssyncadd.s32 $0xFFFFFFFF  }
0x1d: {  	s27 =	simm.s32 $execute0_lowered;
	[smem:$0x3FD2] =	sst s26  }
0x1e: {  	s4 =	sshll.u32 s27, $0x1;
	_ =	strace $0x80000049;
	[dreg:$0x1] =	wrdreg $0xFFFFFFFF  }
0x1f: {  	s28 =	simm.s32 $_size_execute0_lowered;
	s1 =	sadd.s32 s1, s4;
	[dreg:$0x0] =	wrdreg $0x0  }
0x20: {  	s4 =	sshll.u32 s28, $0x1;
	[dreg:$0x2] =	wrdreg s1  }
0x21: {  	[dreg:$0x3] =	wrdreg s4  }
0x22: {  	[dreg:$0x4] =	wrdreg $0xC0  }
0x23: {  	_ =	task [dreg:s6], $0x5FFFF  }
0x24: {  	[dreg:$0x1] =	wrdreg $0xFFFFFFFF  }
0x25: {  	[dreg:$0x0] =	wrdreg $0x60  }
0x26: {  	[dreg:$0x2] =	wrdreg s25  }
0x27: {  	[dreg:$0x3] =	wrdreg $0x9  }
0x28: {  	_ =	task.clear_ibuf [dreg:s6], $0x4FFFF;
	_ =	strace $0x90000049  }
0x29: {  	s29 =	simm.s32 $0x9;
	_ =	strace $0x8000004B  }
0x2a: {  	_ =	swait.ge [sflag:s29], $0x1  }
0x2b: {  	[sflag:s29] =	ssyncadd.s32 $0xFFFFFFFF  }
0x2c: {  	_ =	strace $0x9000004B  }
0x2d: {  	_ =	sfence  }
0x2e: {  	s30 =	sld [smem:$0x0];
	_ =	sdelay $0x2  }
0x2f: {  	s31 =	sshll.u32 s3, $0xD;
	s3 =	sshrl.u32 s3, $0x2  }
0x30: {  	s2 =	sand.u32 $0x4000, s31;
	s1 =	sadd.s32 s3, s30  }
0x31: {  	s0 =	sor.u32 s2, s0;
	s1 =	sshll.u32 s1, $0x11  }
0x32: {  	s0 =	sor.u32 s1, s0  }
0x33: {  	s0 =	sadd.s32 $0x8F2B, s0  }
0x34: {  	[sflag:s0] =	ssyncadd.remote.s32 $0x1  }
0x35: {  	_ =	sfence.sel $0xFFFF  }
0x36: {  	[dreg:$0x0] =	wrdreg $0xFFFFFFFF;
	(pc) =	sbr.abs _section_cstart, $3  }
0x37: {  	[dreg:$0x1] =	wrdreg $0xFFFFFFFF  }
0x38: {  	_ =	task.clear_ibuf [dreg:s6], $0x2FFFF;
	_ =	strace $0x9FFFFFFF  }
0x39: {  	(tm) =	ssettm $0x7FFFFFFF  }
tec
execute0_lowered:
.L_overlay_start_1:
0x0: {  	(tag) =	ssettag $0x1  }
0x1: {  	s0 =	srdreg.scid  }
0x2: {  	s6 =	rddreg [dreg:$0x0];
	s7 =	simm.s32 $0x1;
	s1 =	sshll.u32 s0, $0x4  }
0x3: {  	s8 =	simm.s32 $0x2;
	s0 =	stileid.u32;
	s1 =	sand.u32 $0x10, s1  }
0x4: {  	s13 =	simm.s32 $0x0;
	s12 =	simm.s32 $0x0;
	s1 =	sor.u32 s0, s1  }
0x5: {  	s10 =	simm.s32 $0x0;
	s11 =	simm.s32 $0x0;
	s2 =	sshll.u32 s1, $0x8  }
0x6: {  	s3 =	sadd.s32 $0x200000, s6;
	s6 =	sadd.s32 $0x3E0000, s6;
	s5 =	ssub.s32 $0x3C000, s2  }
.Ltmp0:
0x7: {  	s1 =	rddreg [dreg:$0x1];
	s4 =	sand.u32 $0x1F00, s5;
	(pc) =	sbr.rel .LBB1_1-.Ltmp0, $4  }
0x8: {  	_ =	strace $0x8000004A;
	s9 =	smov.u32 s2;
	p0 =	sne.s32 s4, $0x0  }
0x9: {  	s5 =	sshrl.u32 s5, $0xD;
	s4 =	simm.s32 $0x1;
	s7 =	simm.s32 @!p0 $0x0  }
0xa: {  	[sflag:s4] =	ssyncpa.u1 $0x0;
	p0 =	por $0x0, $0x0;
	s5 =	sadd.s32 s7, s5  }
0xb: {  	[sflag:s8] =	ssyncpa.u1 $0x0;
	s8 =	simm.s32 $0x80;
	s7 =	sadd.s32 $0x1, s5  }
.LBB1_4:
0xc: {  	_ =	sdelay $0x3  }
0xd: {  	s21 =	sor.u32 s24, s23;
	v47 =	vld.idx.msk [tilespmem:v0+s16+$0x470 ss:$0x1], $0xffff  }
0xe: {  	v57 =	vld.idx.msk [tilespmem:v0+s21+$0x410 ss:$0x1], $0xffff  }
0xf: {  	v58 =	vld.idx.msk [tilespmem:v0+s21+$0x420 ss:$0x1], $0xffff  }
0x10: {  	[tilespmem:s18+$0x1860 ss:$0x41] =	vst.msk $0xffff, v8;
	v59 =	vld.idx.msk [tilespmem:v0+s21+$0x430 ss:$0x1], $0xffff  }
0x11: {  	[tilespmem:s18+$0x1C70 ss:$0x41] =	vst.msk $0xffff, v7;
	v60 =	vld.idx.msk [tilespmem:v0+s21+$0x440 ss:$0x1], $0xffff  }
0x12: {  	[tilespmem:s18+$0x2490 ss:$0x41] =	vst.msk $0xffff, v1;
	s22 =	sand.u32 $0x3B00, s21;
	v61 =	vld.idx.msk [tilespmem:v0+s21+$0x450 ss:$0x1], $0xffff  }
0x13: {  	s20 =	sand.u32 $0x80, s20;
	[tilespmem:s18+$0x28A0 ss:$0x41] =	vst.msk $0xffff, v2;
	v62 =	vld.idx.msk [tilespmem:v0+s21+$0x460 ss:$0x1], $0xffff;
	s15 =	sadd.s32 s22, s15  }
0x14: {  	[tilespmem:s18+$0x2CB0 ss:$0x41] =	vst.msk $0xffff, v3;
	v63 =	vld.idx.msk [tilespmem:v0+s21+$0x470 ss:$0x1], $0xffff;
	s15 =	sadd.s32 s20, s15  }
0x15: {  	[tilespmem:s18+$0x30C0 ss:$0x41] =	vst.msk $0xffff, v4;
	v48 =	vld [tilespmem:s15+$0x400]  }
0x16: {  	[tilespmem:s18+$0x34D0 ss:$0x41] =	vst.msk $0xffff, v5;
	v49 =	vld [tilespmem:s15+$0x0]  }
0x17: {  	s25 =	sshra.s32 s19, $0x2;
	[tilespmem:s18+$0x38E0 ss:$0x41] =	vst.msk $0xffff, v6;
	v50 =	vld [tilespmem:s15+$0x10]  }
0x18: {  	s16 =	sadd.s32 s25, s17;
	v51 =	vld [tilespmem:s15+$0x20];
	[tilespmem:s18+$0x3CF0 ss:$0x41] =	vst.msk $0xffff, v47  }
0x19: {  	v52 =	vld [tilespmem:s15+$0x30];
	[tilespmem:s16+$0x2490 ss:$0x41] =	vst.msk $0xffff, v57  }
0x1a: {  	v53 =	vld [tilespmem:s15+$0x40];
	[tilespmem:s16+$0x28A0 ss:$0x41] =	vst.msk $0xffff, v58  }
0x1b: {  	v54 =	vld [tilespmem:s15+$0x50];
	[tilespmem:s16+$0x2CB0 ss:$0x41] =	vst.msk $0xffff, v59  }
0x1c: {  	s13 =	sshll.u32 s13, $0x7;
	s26 =	sshll.u32 s12, $0x3;
	v55 =	vld [tilespmem:s15+$0x60];
	[tilespmem:s16+$0x30C0 ss:$0x41] =	vst.msk $0xffff, v60  }
0x1d: {  	s27 =	sand.u32 $0xFFFFFC00, s13;
	v56 =	vld [tilespmem:s15+$0x70];
	s15 =	sand.u32 $0xFFFFFC00, s26;
	[tilespmem:s16+$0x34D0 ss:$0x41] =	vst.msk $0xffff, v61  }
0x1e: {  	s13 =	sand.u32 $0x380, s13;
	s15 =	sadd.s32 s15, s27;
	[tilespmem:s16+$0x38E0 ss:$0x41] =	vst.msk $0xffff, v62  }
0x1f: {  	s13 =	sor.u32 s13, s15;
	[tilespmem:s16+$0x3CF0 ss:$0x41] =	vst.msk $0xffff, v63  }
0x20: {  	s13 =	sshrl.u32 s13, $0x7;
	[tilespmem:s16+$0x2080 ss:$0x41] =	vst.msk $0xffff, v48  }
0x21: {  	s28 =	smulhi.u32 $0x2222223, s13;
	[tilespmem:s16+$0x0 ss:$0x41] =	vst.msk $0xffff, v49  }
0x22: {  	[tilespmem:s16+$0x410 ss:$0x41] =	vst.msk $0xffff, v50  }
0x23: {  	[tilespmem:s16+$0x820 ss:$0x41] =	vst.msk $0xffff, v51;
	s15 =	sshrl.u32 s28, $0xB  }
0x24: {  	[tilespmem:s16+$0xC30 ss:$0x41] =	vst.msk $0xffff, v52;
	s15 =	smul.u32 $0x3C000, s15  }
0x25: {  	s29 =	sshrl.u32 s12, $0x3;
	[tilespmem:s16+$0x1040 ss:$0x41] =	vst.msk $0xffff, v53  }
0x26: {  	s31 =	sand.u32 $0x7, s12;
	s30 =	sand.u32 $0xF, s29;
	[tilespmem:s16+$0x1450 ss:$0x41] =	vst.msk $0xffff, v54;
	s13 =	ssub.s32 s13, s15  }
0x27: {  	s12 =	sshll.u32 s31, $0x12;
	[tilespmem:s16+$0x1860 ss:$0x41] =	vst.msk $0xffff, v55;
	s15 =	sadd.s32 s6, s30;
	s13 =	sshll.u32 s13, $0x4  }
0x28: {  	s12 =	sor.u32 $0x40, s12;
	[tilespmem:s16+$0x1C70 ss:$0x41] =	vst.msk $0xffff, v56;
	s13 =	sadd.s32 s13, s15  }
0x29: {  	[hbm4b:s13+s12] =	stream.strided.scatter [tilespmem:s14], [sflag:$0x2], $0x4000, s8, s12, $0x18;
	[tilespmem:$0x10200] =	vst v63  }
.LBB1_5:
0x2a: {  	s14 =	sadd.s32 $0x2000, s9  }
0x2b: {  	s12 =	sadd.s32 $0x40, s10;
	s16 =	smov.u32 s10;
	p2 =	sgt.s32 s14, $0x3BFFF  }
0x2c: {  	s16 =	smov.u32 @p2 s12  }
0x2d: {  	s14 =	smov.u32 @p2 s2;
	p2 =	sgt.s32 s16, $0x3F  }
0x2e: {  	s16 =	simm.s32 @p2 $0x0;
	p2 =	sne.s32 s11, s7  }
.Ltmp1:
0x2f: {  	p1 =	slt.u32 s11, $0x2;
	(pc) =	sbr.rel @!p2 .LBB1_6-.Ltmp1, $4  }
0x30: {  	s15 =	simm.s32 @!p1 $0x2  }
0x31: {  	s13 =	smov.u32 s9;
	p0 =	por !p0, !p0;
	_ =	swait.ge @!p1 [sflag:s15], $0x4000  }
0x32: {  	s12 =	smov.u32 s10;
	[sflag:s15] =	ssyncset.done @!p1 $0x0;
	s9 =	smov.u32 s14  }
0x33: {  	s11 =	sadd.s32 $0x1, s11;
	[sflag:s15] =	ssyncadd.s32 @!p1 $0xFFFFC000;
	s10 =	smov.u32 s16  }
.LBB1_1:
0x34: {  	p1 =	sge.u32 s11, s5  }
0x35: {  	s14 =	sshrl.u32 @!p1 s10, $0x3  }
0x36: {  	s15 =	sshll.u32 @!p1 s9, $0x3;
	s16 =	sshll.u32 @!p1 s10, $0x7;
	s14 =	smul.u32 @!p1 $0x1E0000, s14  }
0x37: {  	s17 =	sand.u32 @!p1 $0x7F, s9;
	s15 =	sand.u32 @!p1 $0xFFFFFC00, s15;
	s16 =	sand.u32 @!p1 $0x380, s16  }
0x38: {  	s14 =	sadd.s32 @!p1 s14, s15;
	s15 =	sor.u32 @!p1 s17, s16  }
0x39: {  	s15 =	sor.u32 @!p1 s14, s15  }
0x3a: {  	s16 =	smulhi.u32 @!p1 $0x88888889, s15;
	_ =	sdelay $0x1  }
0x3b: {  	s14 =	smulhi.u32 @!p1 $0x88888889, s14;
	s16 =	sshrl.u32 @!p1 s16, $0x11  }
0x3c: {  	s16 =	smul.u32 @!p1 $0x3C000, s16  }
0x3d: {  	s31 =	sadd.s32 $0xFFFFFFFF, s11;
	s17 =	sxor.u32 @!p1 $0xFFFFFFFF, s11;
	s14 =	sshrl.u32 @!p1 s14, $0x11  }
0x3e: {  	s17 =	sshll.u32 @!p1 s17, $0xE;
	s14 =	sand.u32 @!p1 $0x3F, s14;
	s15 =	ssub.s32 @!p1 s15, s16  }
0x3f: {  	s14 =	smul.u32 @!p1 $0x7800, s14;
	s16 =	sshrl.u32 @!p1 s15, $0x3;
	s15 =	sand.u32 @!p1 $0x7, s15  }
0x40: {  	s17 =	sand.u32 @!p1 $0x4000, s17;
	s16 =	sadd.s32 @!p1 s3, s16;
	s15 =	sshll.u32 @!p1 s15, $0x12  }
0x41: {  	s14 =	sadd.s32 @!p1 s14, s16;
	s15 =	sor.u32 @!p1 $0x800, s15;
	s16 =	simm.s32 @!p1 $0x1E0000  }
0x42: {  	[tilespmem:s17], [sflag:$0x1] =	stream.strided.gather @!p1 [hbm4b:s14+s15], $0x4000, s16, s15, $0x38;
	[tilespmem:$0x10200] =	vst v63  }
0x43: {  	p1 =	sge.u32 s31, s5  }
.Ltmp2:
0x44: {  	_ = 	snop;
	(pc) =	sbr.rel @p1 .LBB1_5-.Ltmp2, $1  }
0x45: {  	_ =	sdelay $0x3  }
0x46: {  	s17 =	simm.s32 $0x0  }
0x47: {  	s16 =	sand.u32 $0x3800, s17;
	s18 =	sand.u32 $0x380, s17  }
0x48: {  	s14 =	sand.u32 $0x1, s11;
	s16 =	sor.u32 s18, s16  }
0x49: {  	_ =	swait.ge [sflag:s4], $0x4000;
	s15 =	sshll.u32 s14, $0xE;
	s18 =	sand.u32 $0x3B00, s16  }
0x4a: {  	[sflag:s4] =	ssyncset.done $0x0;
	s17 =	sand.u32 $0x80, s17;
	s18 =	sadd.s32 s18, s15  }
0x4b: {  	[sflag:s4] =	ssyncadd.s32 $0xFFFFC000;
	s20 =	sadd.s32 s17, s18  }
0x4c: {  	v4 =	vld [tilespmem:s20+$0x400]  }
0x4d: {  	s19 =	simm.s32 $0x1;
	v5 =	vld [tilespmem:s20+$0x0]  }
0x4e: {  	s19 =	simm.s32 @!p0 $0x0;
	v6 =	vld [tilespmem:s20+$0x10]  }
0x4f: {  	v0 =	vmov s15;
	s31 =	smul.u32 $0x10400, s19;
	v7 =	vld [tilespmem:s20+$0x20]  }
0x50: {  	v9 =	vld [tilespmem:s20+$0x30]  }
0x51: {  	s17 =	sshrl.u32 s31, $0x2;
	v10 =	vld [tilespmem:s20+$0x40]  }
0x52: {  	s17 =	sor.u32 $0x8000, s17;
	v11 =	vld [tilespmem:s20+$0x50]  }
0x53: {  	v8 =	vld [tilespmem:s20+$0x60];
	s18 =	sadd.s32 $0x0, s17  }
0x54: {  	v1 =	vld.idx.msk [tilespmem:v0+s16+$0x410 ss:$0x1], $0xffff;
	[tilespmem:s18+$0x2080 ss:$0x41] =	vst.msk $0xffff, v4  }
0x55: {  	v2 =	vld.idx.msk [tilespmem:v0+s16+$0x420 ss:$0x1], $0xffff;
	[tilespmem:s18+$0x0 ss:$0x41] =	vst.msk $0xffff, v5  }
0x56: {  	v3 =	vld.idx.msk [tilespmem:v0+s16+$0x430 ss:$0x1], $0xffff;
	[tilespmem:s18+$0x410 ss:$0x41] =	vst.msk $0xffff, v6  }
0x57: {  	s14 =	smul.u32 $0x10400, s14;
	[tilespmem:s18+$0x820 ss:$0x41] =	vst.msk $0xffff, v7;
	v7 =	vld [tilespmem:s20+$0x70]  }
0x58: {  	s21 =	simm.s32 $0x100;
	s22 =	simm.s32 $0x8;
	[tilespmem:s18+$0xC30 ss:$0x41] =	vst.msk $0xffff, v9;
	v4 =	vld.idx.msk [tilespmem:v0+s16+$0x440 ss:$0x1], $0xffff  }
0x59: {  	s23 =	sand.u32 $0x3800, s21;
	s14 =	sshrl.u32 s14, $0x2;
	[tilespmem:s18+$0x1040 ss:$0x41] =	vst.msk $0xffff, v10;
	v5 =	vld.idx.msk [tilespmem:v0+s16+$0x450 ss:$0x1], $0xffff;
	s20 =	simm.s32 $0x80  }
0x5a: {  	s19 =	simm.s32 $0x4;
	s14 =	sor.u32 $0x8000, s14;
	[tilespmem:s18+$0x1450 ss:$0x41] =	vst.msk $0xffff, v11;
	v6 =	vld.idx.msk [tilespmem:v0+s16+$0x460 ss:$0x1], $0xffff;
	s24 =	sand.u32 $0x380, s20  }
.LBB1_3:
0x5b: {  	p1 =	sne.s32 s22, $0xFC;
	[tilespmem:s18+$0x1860 ss:$0x41] =	vst.msk $0xffff, v8;
	v8 =	vld.idx.msk [tilespmem:v0+s16+$0x470 ss:$0x1], $0xffff;
	s16 =	sor.u32 s24, s23  }
0x5c: {  	s23 =	sand.u32 $0x3B00, s16;
	v9 =	vld.idx.msk [tilespmem:v0+s16+$0x410 ss:$0x1], $0xffff;
	[tilespmem:s18+$0x1C70 ss:$0x41] =	vst.msk $0xffff, v7  }
0x5d: {  	s24 =	sand.u32 $0x80, s20;
	s23 =	sadd.s32 s23, s15;
	v7 =	vld.idx.msk [tilespmem:v0+s16+$0x420 ss:$0x1], $0xffff;
	[tilespmem:s18+$0x2490 ss:$0x41] =	vst.msk $0xffff, v1  }
0x5e: {  	s23 =	sadd.s32 s24, s23;
	v10 =	vld.idx.msk [tilespmem:v0+s16+$0x430 ss:$0x1], $0xffff;
	[tilespmem:s18+$0x28A0 ss:$0x41] =	vst.msk $0xffff, v2  }
0x5f: {  	v11 =	vld [tilespmem:s23+$0x400];
	[tilespmem:s18+$0x2CB0 ss:$0x41] =	vst.msk $0xffff, v3  }
0x60: {  	v12 =	vld [tilespmem:s23+$0x0];
	[tilespmem:s18+$0x30C0 ss:$0x41] =	vst.msk $0xffff, v4  }
0x61: {  	v4 =	vld [tilespmem:s23+$0x10];
	[tilespmem:s18+$0x34D0 ss:$0x41] =	vst.msk $0xffff, v5  }
0x62: {  	s24 =	sshra.s32 s19, $0x2;
	s19 =	smov.u32 s22;
	v1 =	vmov v9;
	v5 =	vld [tilespmem:s23+$0x20];
	[tilespmem:s18+$0x38E0 ss:$0x41] =	vst.msk $0xffff, v6  }
0x63: {  	v2 =	vmov v7;
	v6 =	vld [tilespmem:s23+$0x30];
	[tilespmem:s18+$0x3CF0 ss:$0x41] =	vst.msk $0xffff, v8;
	s18 =	sadd.s32 s24, s17  }
0x64: {  	v3 =	vmov v10;
	v9 =	vld [tilespmem:s23+$0x40];
	[tilespmem:s18+$0x2080 ss:$0x41] =	vst.msk $0xffff, v11  }
0x65: {  	[tilespmem:s18+$0x0 ss:$0x41] =	vst.msk $0xffff, v12;
	v10 =	vld [tilespmem:s23+$0x50]  }
.Ltmp3:
0x66: {  	[tilespmem:s18+$0x410 ss:$0x41] =	vst.msk $0xffff, v4;
	v8 =	vld [tilespmem:s23+$0x60];
	(pc) =	sbr.rel @p1 .LBB1_3-.Ltmp3, $4  }
0x67: {  	[tilespmem:s18+$0x820 ss:$0x41] =	vst.msk $0xffff, v5;
	v7 =	vld [tilespmem:s23+$0x70]  }
0x68: {  	[tilespmem:s18+$0xC30 ss:$0x41] =	vst.msk $0xffff, v6;
	v4 =	vld.idx.msk [tilespmem:v0+s16+$0x440 ss:$0x1], $0xffff  }
0x69: {  	s20 =	sadd.s32 $0x80, s20;
	s21 =	sadd.s32 $0x100, s21;
	[tilespmem:s18+$0x1040 ss:$0x41] =	vst.msk $0xffff, v9;
	v5 =	vld.idx.msk [tilespmem:v0+s16+$0x450 ss:$0x1], $0xffff  }
0x6a: {  	s22 =	sadd.s32 $0x4, s22;
	s24 =	sand.u32 $0x380, s20;
	s23 =	sand.u32 $0x3800, s21;
	[tilespmem:s18+$0x1450 ss:$0x41] =	vst.msk $0xffff, v10;
	v6 =	vld.idx.msk [tilespmem:v0+s16+$0x460 ss:$0x1], $0xffff  }
.Ltmp4:
0x6b: {  	_ = 	snop;
	(pc) =	sbr.rel .LBB1_4-.Ltmp4, $1  }
0x6c: {  	_ =	sdelay $0x3  }
.LBB1_6:
0x6d: {  	_ =	sfence.sel $0x180000  }
0x6e: {  	s2 =	simm.s32 $0x1;
	[bflag:$0x0] =	sbarrier.arrive $0xFFFF  }
0x6f: {  	s31 =	simm.s32 $0x2;
	[sflag:s2] =	ssyncpa.u1 $0x1  }
0x70: {  	[sflag:s31] =	ssyncpa.u1 $0x1  }
0x71: {  	p0 =	sne.s32 s0, $0x0;
	_ =	strace $0x9000004A  }
0x72: {  	s0 =	sadd.s32 @!p0 $0x100000, s1;
	[bflag:$0x2] =	sbarrier.arrive $0xFFFF  }
0x73: {  	[sflag:s0] =	ssyncadd.tile.s32 @!p0 $0x1;
	_ =	shalt  }
.Lfunc_end1:
_tile_overlayer_lowered:
.L_overlay_start_2:
0x74: {  	(tag) =	ssettag $0x2  }
0x75: {  	s0 =	rddreg [dreg:$0x0];
	s2 =	stileid.u32  }
0x76: {  	s1 =	rddreg [dreg:$0x1];
	p0 =	sne.s32 s2, $0x0  }
0x77: {  	s3 =	rddreg [dreg:$0x2];
	[bflag:$0x3] =	sbarrier.arrive $0xFFFF;
	s2 =	simm.s32 @!p0 $0x1C01  }
0x78: {  	[timem:s3], [sflag:s2] =	dma.local @!p0 [hbm:s0], s1  }
0x79: {  	s0 =	simm.s32 @!p0 $0x1  }
0x7a: {  	_ =	swait.ge @!p0 [sflag:s0], s1  }
0x7b: {  	s1 =	ssub.s32 @!p0 $0x0, s1;
	[sflag:s0] =	ssyncset.done @!p0 $0x0  }
0x7c: {  	[sflag:s0] =	ssyncadd.s32 @!p0 s1  }
0x7d: {  	[bflag:$0x3] =	sbarrier.arrive $0xFFFF  }
0x7e: {  	_ =	shalt  }

// kernel: sparse-core-data-format-call.2.cloned.1.call-start
scs
called_computation.2_lowered:
.L_overlay_start_0:
0x0: {  	s1 =	sld [smem:$0x3FD9]  }
0x1: {  	s2 =	sld [smem:$0x3FFE];
	_ =	sdelay $0x1  }
0x2: {  	s3 =	srdreg.scid  }
0x3: {  	s0 =	sand.u32 $0x1, s3  }
0x4: {  	s17 =	sshll.u32 s0, $0xA;
	s1 =	sadd.s32 s2, s1  }
0x5: {  	s1 =	sadd.s32 s1, s17  }
0x6: {  	[smem:$0x3F9F] =	sst s1  }
0x7: {  	_ = 	snop  }
0x8: {  	(tm) =	ssettm $0x1  }
0x9: {  	s18 =	sld [smem:$0x3FFB];
	_ =	sdelay $0x3  }
0xa: {  	_ =	strace s18  }
0xb: {  	s1 =	sld [smem:$0x3FFC];
	_ =	sdelay $0x3  }
0xc: {  	_ =	strace s1  }
0xd: {  	s1 =	sld [smem:$0x3FFD];
	_ =	sdelay $0x3  }
0xe: {  	_ =	strace s1  }
0xf: {  	_ =	strace $0x8FFFFFFF  }
0x10: {  	s19 =	sld [smem:$0x3FDB];
	_ =	sdelay $0x1  }
0x11: {  	s20 =	simm.s32 $_scs_section_size  }
0x12: {  	s4 =	simm.s32 $_size__tile_overlayer_lowered;
	s5 =	simm.s32 $_tile_overlayer_lowered  }
0x13: {  	s23 =	simm.s32 $0x1BFF;
	s22 =	sshll.u32 s5, $0x1;
	s1 =	sadd.s32 s20, s19  }
0x14: {  	s6 =	simm.s32 $0x0;
	s21 =	sshll.u32 s4, $0x1;
	s4 =	sadd.s32 s22, s1  }
0x15: {  	[timem:s6], [sflag:s23] =	dma.local [hbm:s4], s21  }
0x16: {  	_ =	swait.ge [sflag:s23], s21  }
0x17: {  	s2 =	ssub.s32 $0x0, s21;
	[sflag:s23] =	ssyncset.done $0x0  }
0x18: {  	[sflag:s23] =	ssyncadd.s32 s2;
	_ =	sdelay $0x1  }
0x19: {  	s24 =	simm.s32 $0x1B8B  }
0x1a: {  	_ =	swait.ge [sflag:s24], $0x1  }
0x1b: {  	[sflag:s24] =	ssyncset.done $0x0  }
0x1c: {  	s26 =	simm.s32 $0x1B8E;
	s25 =	sld [smem:$0x3FFE];
	[sflag:s24] =	ssyncadd.s32 $0xFFFFFFFF  }
0x1d: {  	s27 =	simm.s32 $execute0_lowered;
	[smem:$0x3FD2] =	sst s26  }
0x1e: {  	s4 =	sshll.u32 s27, $0x1;
	_ =	strace $0x80000046;
	[dreg:$0x1] =	wrdreg $0xFFFFFFFF  }
0x1f: {  	s28 =	simm.s32 $_size_execute0_lowered;
	s1 =	sadd.s32 s1, s4;
	[dreg:$0x0] =	wrdreg $0x0  }
0x20: {  	s4 =	sshll.u32 s28, $0x1;
	[dreg:$0x2] =	wrdreg s1  }
0x21: {  	[dreg:$0x3] =	wrdreg s4  }
0x22: {  	[dreg:$0x4] =	wrdreg $0xC0  }
0x23: {  	_ =	task [dreg:s6], $0x5FFFF  }
0x24: {  	[dreg:$0x1] =	wrdreg $0xFFFFFFFF  }
0x25: {  	[dreg:$0x0] =	wrdreg $0x60  }
0x26: {  	[dreg:$0x2] =	wrdreg s25  }
0x27: {  	[dreg:$0x3] =	wrdreg $0x9  }
0x28: {  	_ =	task.clear_ibuf [dreg:s6], $0x4FFFF;
	_ =	strace $0x90000046  }
0x29: {  	s29 =	simm.s32 $0x9;
	_ =	strace $0x80000048  }
0x2a: {  	_ =	swait.ge [sflag:s29], $0x1  }
0x2b: {  	[sflag:s29] =	ssyncadd.s32 $0xFFFFFFFF  }
0x2c: {  	_ =	strace $0x90000048  }
0x2d: {  	_ =	sfence  }
0x2e: {  	s30 =	sld [smem:$0x0];
	_ =	sdelay $0x2  }
0x2f: {  	s31 =	sshll.u32 s3, $0xD;
	s3 =	sshrl.u32 s3, $0x2  }
0x30: {  	s2 =	sand.u32 $0x4000, s31;
	s1 =	sadd.s32 s3, s30  }
0x31: {  	s0 =	sor.u32 s2, s0;
	s1 =	sshll.u32 s1, $0x11  }
0x32: {  	s0 =	sor.u32 s1, s0  }
0x33: {  	s0 =	sadd.s32 $0x8F2B, s0  }
0x34: {  	[sflag:s0] =	ssyncadd.remote.s32 $0x1  }
0x35: {  	_ =	sfence.sel $0xFFFF  }
0x36: {  	[dreg:$0x0] =	wrdreg $0xFFFFFFFF;
	(pc) =	sbr.abs _section_cstart, $3  }
0x37: {  	[dreg:$0x1] =	wrdreg $0xFFFFFFFF  }
0x38: {  	_ =	task.clear_ibuf [dreg:s6], $0x2FFFF;
	_ =	strace $0x9FFFFFFF  }
0x39: {  	(tm) =	ssettm $0x7FFFFFFF  }
tec
execute0_lowered:
.L_overlay_start_1:
0x0: {  	(tag) =	ssettag $0x1  }
0x1: {  	s0 =	srdreg.scid  }
0x2: {  	s3 =	rddreg [dreg:$0x0];
	s1 =	sshll.u32 s0, $0x4  }
0x3: {  	s6 =	simm.s32 $0x1;
	s0 =	stileid.u32;
	s1 =	sand.u32 $0x10, s1  }
0x4: {  	s7 =	simm.s32 $0x2;
	s13 =	simm.s32 $0x0;
	s1 =	sor.u32 s0, s1  }
0x5: {  	s8 =	simm.s32 $0x80;
	s12 =	simm.s32 $0x0;
	s2 =	sshll.u32 s1, $0x8  }
0x6: {  	s10 =	simm.s32 $0x0;
	s11 =	simm.s32 $0x0;
	s5 =	ssub.s32 $0x3C000, s2  }
.Ltmp0:
0x7: {  	s1 =	rddreg [dreg:$0x1];
	s4 =	sand.u32 $0x1F00, s5;
	(pc) =	sbr.rel .LBB1_1-.Ltmp0, $4  }
0x8: {  	_ =	strace $0x80000047;
	s9 =	smov.u32 s2;
	p0 =	sne.s32 s4, $0x0  }
0x9: {  	s5 =	sshrl.u32 s5, $0xD;
	s4 =	simm.s32 $0x1;
	s6 =	simm.s32 @!p0 $0x0  }
0xa: {  	[sflag:s4] =	ssyncpa.u1 $0x0;
	p0 =	por $0x0, $0x0;
	s5 =	sadd.s32 s6, s5  }
0xb: {  	s6 =	sadd.s32 $0x1E0000, s3;
	[sflag:s7] =	ssyncpa.u1 $0x0;
	s7 =	sadd.s32 $0x1, s5  }
.LBB1_4:
0xc: {  	_ =	sdelay $0x3  }
0xd: {  	s21 =	sor.u32 s24, s23;
	v47 =	vld.idx.msk [tilespmem:v0+s16+$0x470 ss:$0x1], $0xffff  }
0xe: {  	v57 =	vld.idx.msk [tilespmem:v0+s21+$0x410 ss:$0x1], $0xffff  }
0xf: {  	v58 =	vld.idx.msk [tilespmem:v0+s21+$0x420 ss:$0x1], $0xffff  }
0x10: {  	[tilespmem:s18+$0x1860 ss:$0x41] =	vst.msk $0xffff, v8;
	v59 =	vld.idx.msk [tilespmem:v0+s21+$0x430 ss:$0x1], $0xffff  }
0x11: {  	[tilespmem:s18+$0x1C70 ss:$0x41] =	vst.msk $0xffff, v7;
	v60 =	vld.idx.msk [tilespmem:v0+s21+$0x440 ss:$0x1], $0xffff  }
0x12: {  	[tilespmem:s18+$0x2490 ss:$0x41] =	vst.msk $0xffff, v1;
	s22 =	sand.u32 $0x3B00, s21;
	v61 =	vld.idx.msk [tilespmem:v0+s21+$0x450 ss:$0x1], $0xffff  }
0x13: {  	s20 =	sand.u32 $0x80, s20;
	[tilespmem:s18+$0x28A0 ss:$0x41] =	vst.msk $0xffff, v2;
	v62 =	vld.idx.msk [tilespmem:v0+s21+$0x460 ss:$0x1], $0xffff;
	s15 =	sadd.s32 s22, s15  }
0x14: {  	[tilespmem:s18+$0x2CB0 ss:$0x41] =	vst.msk $0xffff, v3;
	v63 =	vld.idx.msk [tilespmem:v0+s21+$0x470 ss:$0x1], $0xffff;
	s15 =	sadd.s32 s20, s15  }
0x15: {  	[tilespmem:s18+$0x30C0 ss:$0x41] =	vst.msk $0xffff, v4;
	v48 =	vld [tilespmem:s15+$0x400]  }
0x16: {  	[tilespmem:s18+$0x34D0 ss:$0x41] =	vst.msk $0xffff, v5;
	v49 =	vld [tilespmem:s15+$0x0]  }
0x17: {  	s25 =	sshra.s32 s19, $0x2;
	[tilespmem:s18+$0x38E0 ss:$0x41] =	vst.msk $0xffff, v6;
	v50 =	vld [tilespmem:s15+$0x10]  }
0x18: {  	s16 =	sadd.s32 s25, s17;
	v51 =	vld [tilespmem:s15+$0x20];
	[tilespmem:s18+$0x3CF0 ss:$0x41] =	vst.msk $0xffff, v47  }
0x19: {  	v52 =	vld [tilespmem:s15+$0x30];
	[tilespmem:s16+$0x2490 ss:$0x41] =	vst.msk $0xffff, v57  }
0x1a: {  	v53 =	vld [tilespmem:s15+$0x40];
	[tilespmem:s16+$0x28A0 ss:$0x41] =	vst.msk $0xffff, v58  }
0x1b: {  	v54 =	vld [tilespmem:s15+$0x50];
	[tilespmem:s16+$0x2CB0 ss:$0x41] =	vst.msk $0xffff, v59  }
0x1c: {  	s13 =	sshll.u32 s13, $0x7;
	s26 =	sshll.u32 s12, $0x3;
	v55 =	vld [tilespmem:s15+$0x60];
	[tilespmem:s16+$0x30C0 ss:$0x41] =	vst.msk $0xffff, v60  }
0x1d: {  	s27 =	sand.u32 $0xFFFFFC00, s13;
	v56 =	vld [tilespmem:s15+$0x70];
	s15 =	sand.u32 $0xFFFFFC00, s26;
	[tilespmem:s16+$0x34D0 ss:$0x41] =	vst.msk $0xffff, v61  }
0x1e: {  	s13 =	sand.u32 $0x380, s13;
	s15 =	sadd.s32 s15, s27;
	[tilespmem:s16+$0x38E0 ss:$0x41] =	vst.msk $0xffff, v62  }
0x1f: {  	s13 =	sor.u32 s13, s15;
	[tilespmem:s16+$0x3CF0 ss:$0x41] =	vst.msk $0xffff, v63  }
0x20: {  	s13 =	sshrl.u32 s13, $0x7;
	[tilespmem:s16+$0x2080 ss:$0x41] =	vst.msk $0xffff, v48  }
0x21: {  	s28 =	smulhi.u32 $0x2222223, s13;
	[tilespmem:s16+$0x0 ss:$0x41] =	vst.msk $0xffff, v49  }
0x22: {  	[tilespmem:s16+$0x410 ss:$0x41] =	vst.msk $0xffff, v50  }
0x23: {  	[tilespmem:s16+$0x820 ss:$0x41] =	vst.msk $0xffff, v51;
	s15 =	sshrl.u32 s28, $0xB  }
0x24: {  	[tilespmem:s16+$0xC30 ss:$0x41] =	vst.msk $0xffff, v52;
	s15 =	smul.u32 $0x3C000, s15  }
0x25: {  	s29 =	sshrl.u32 s12, $0x3;
	[tilespmem:s16+$0x1040 ss:$0x41] =	vst.msk $0xffff, v53  }
0x26: {  	s31 =	sand.u32 $0x7, s12;
	s30 =	sand.u32 $0xF, s29;
	[tilespmem:s16+$0x1450 ss:$0x41] =	vst.msk $0xffff, v54;
	s13 =	ssub.s32 s13, s15  }
0x27: {  	s12 =	sshll.u32 s31, $0x12;
	[tilespmem:s16+$0x1860 ss:$0x41] =	vst.msk $0xffff, v55;
	s15 =	sadd.s32 s6, s30;
	s13 =	sshll.u32 s13, $0x4  }
0x28: {  	s12 =	sor.u32 $0x40, s12;
	[tilespmem:s16+$0x1C70 ss:$0x41] =	vst.msk $0xffff, v56;
	s13 =	sadd.s32 s13, s15  }
0x29: {  	[hbm4b:s13+s12] =	stream.strided.scatter [tilespmem:s14], [sflag:$0x2], $0x4000, s8, s12, $0x18;
	[tilespmem:$0x10200] =	vst v63  }
.LBB1_5:
0x2a: {  	s14 =	sadd.s32 $0x2000, s9  }
0x2b: {  	s12 =	sadd.s32 $0x40, s10;
	s16 =	smov.u32 s10;
	p2 =	sgt.s32 s14, $0x3BFFF  }
0x2c: {  	s16 =	smov.u32 @p2 s12  }
0x2d: {  	s14 =	smov.u32 @p2 s2;
	p2 =	sgt.s32 s16, $0x3F  }
0x2e: {  	s16 =	simm.s32 @p2 $0x0;
	p2 =	sne.s32 s11, s7  }
.Ltmp1:
0x2f: {  	p1 =	slt.u32 s11, $0x2;
	(pc) =	sbr.rel @!p2 .LBB1_6-.Ltmp1, $4  }
0x30: {  	s15 =	simm.s32 @!p1 $0x2  }
0x31: {  	s13 =	smov.u32 s9;
	p0 =	por !p0, !p0;
	_ =	swait.ge @!p1 [sflag:s15], $0x4000  }
0x32: {  	s12 =	smov.u32 s10;
	[sflag:s15] =	ssyncset.done @!p1 $0x0;
	s9 =	smov.u32 s14  }
0x33: {  	s11 =	sadd.s32 $0x1, s11;
	[sflag:s15] =	ssyncadd.s32 @!p1 $0xFFFFC000;
	s10 =	smov.u32 s16  }
.LBB1_1:
0x34: {  	p1 =	sge.u32 s11, s5  }
0x35: {  	s14 =	sshrl.u32 @!p1 s10, $0x3  }
0x36: {  	s15 =	sshll.u32 @!p1 s9, $0x3;
	s16 =	sshll.u32 @!p1 s10, $0x7;
	s14 =	smul.u32 @!p1 $0x1E0000, s14  }
0x37: {  	s17 =	sand.u32 @!p1 $0x7F, s9;
	s15 =	sand.u32 @!p1 $0xFFFFFC00, s15;
	s16 =	sand.u32 @!p1 $0x380, s16  }
0x38: {  	s14 =	sadd.s32 @!p1 s14, s15;
	s15 =	sor.u32 @!p1 s17, s16  }
0x39: {  	s15 =	sor.u32 @!p1 s14, s15  }
0x3a: {  	s16 =	smulhi.u32 @!p1 $0x88888889, s15;
	_ =	sdelay $0x1  }
0x3b: {  	s14 =	smulhi.u32 @!p1 $0x88888889, s14;
	s16 =	sshrl.u32 @!p1 s16, $0x11  }
0x3c: {  	s16 =	smul.u32 @!p1 $0x3C000, s16  }
0x3d: {  	s31 =	sadd.s32 $0xFFFFFFFF, s11;
	s17 =	sxor.u32 @!p1 $0xFFFFFFFF, s11;
	s14 =	sshrl.u32 @!p1 s14, $0x11  }
0x3e: {  	s17 =	sshll.u32 @!p1 s17, $0xE;
	s14 =	sand.u32 @!p1 $0x3F, s14;
	s15 =	ssub.s32 @!p1 s15, s16  }
0x3f: {  	s14 =	smul.u32 @!p1 $0x7800, s14;
	s16 =	sshrl.u32 @!p1 s15, $0x3;
	s15 =	sand.u32 @!p1 $0x7, s15  }
0x40: {  	s17 =	sand.u32 @!p1 $0x4000, s17;
	s16 =	sadd.s32 @!p1 s3, s16;
	s15 =	sshll.u32 @!p1 s15, $0x12  }
0x41: {  	s14 =	sadd.s32 @!p1 s14, s16;
	s15 =	sor.u32 @!p1 $0x800, s15;
	s16 =	simm.s32 @!p1 $0x1E0000  }
0x42: {  	[tilespmem:s17], [sflag:$0x1] =	stream.strided.gather @!p1 [hbm4b:s14+s15], $0x4000, s16, s15, $0x38;
	[tilespmem:$0x10200] =	vst v63  }
0x43: {  	p1 =	sge.u32 s31, s5  }
.Ltmp2:
0x44: {  	_ = 	snop;
	(pc) =	sbr.rel @p1 .LBB1_5-.Ltmp2, $1  }
0x45: {  	_ =	sdelay $0x3  }
0x46: {  	s17 =	simm.s32 $0x0  }
0x47: {  	s16 =	sand.u32 $0x3800, s17;
	s18 =	sand.u32 $0x380, s17  }
0x48: {  	s14 =	sand.u32 $0x1, s11;
	s16 =	sor.u32 s18, s16  }
0x49: {  	_ =	swait.ge [sflag:s4], $0x4000;
	s15 =	sshll.u32 s14, $0xE;
	s18 =	sand.u32 $0x3B00, s16  }
0x4a: {  	[sflag:s4] =	ssyncset.done $0x0;
	s17 =	sand.u32 $0x80, s17;
	s18 =	sadd.s32 s18, s15  }
0x4b: {  	[sflag:s4] =	ssyncadd.s32 $0xFFFFC000;
	s20 =	sadd.s32 s17, s18  }
0x4c: {  	v4 =	vld [tilespmem:s20+$0x400]  }
0x4d: {  	s19 =	simm.s32 $0x1;
	v5 =	vld [tilespmem:s20+$0x0]  }
0x4e: {  	s19 =	simm.s32 @!p0 $0x0;
	v6 =	vld [tilespmem:s20+$0x10]  }
0x4f: {  	v0 =	vmov s15;
	s31 =	smul.u32 $0x10400, s19;
	v7 =	vld [tilespmem:s20+$0x20]  }
0x50: {  	v9 =	vld [tilespmem:s20+$0x30]  }
0x51: {  	s17 =	sshrl.u32 s31, $0x2;
	v10 =	vld [tilespmem:s20+$0x40]  }
0x52: {  	s17 =	sor.u32 $0x8000, s17;
	v11 =	vld [tilespmem:s20+$0x50]  }
0x53: {  	v8 =	vld [tilespmem:s20+$0x60];
	s18 =	sadd.s32 $0x0, s17  }
0x54: {  	v1 =	vld.idx.msk [tilespmem:v0+s16+$0x410 ss:$0x1], $0xffff;
	[tilespmem:s18+$0x2080 ss:$0x41] =	vst.msk $0xffff, v4  }
0x55: {  	v2 =	vld.idx.msk [tilespmem:v0+s16+$0x420 ss:$0x1], $0xffff;
	[tilespmem:s18+$0x0 ss:$0x41] =	vst.msk $0xffff, v5  }
0x56: {  	v3 =	vld.idx.msk [tilespmem:v0+s16+$0x430 ss:$0x1], $0xffff;
	[tilespmem:s18+$0x410 ss:$0x41] =	vst.msk $0xffff, v6  }
0x57: {  	s14 =	smul.u32 $0x10400, s14;
	[tilespmem:s18+$0x820 ss:$0x41] =	vst.msk $0xffff, v7;
	v7 =	vld [tilespmem:s20+$0x70]  }
0x58: {  	s21 =	simm.s32 $0x100;
	s22 =	simm.s32 $0x8;
	[tilespmem:s18+$0xC30 ss:$0x41] =	vst.msk $0xffff, v9;
	v4 =	vld.idx.msk [tilespmem:v0+s16+$0x440 ss:$0x1], $0xffff  }
0x59: {  	s23 =	sand.u32 $0x3800, s21;
	s14 =	sshrl.u32 s14, $0x2;
	[tilespmem:s18+$0x1040 ss:$0x41] =	vst.msk $0xffff, v10;
	v5 =	vld.idx.msk [tilespmem:v0+s16+$0x450 ss:$0x1], $0xffff;
	s20 =	simm.s32 $0x80  }
0x5a: {  	s19 =	simm.s32 $0x4;
	s14 =	sor.u32 $0x8000, s14;
	[tilespmem:s18+$0x1450 ss:$0x41] =	vst.msk $0xffff, v11;
	v6 =	vld.idx.msk [tilespmem:v0+s16+$0x460 ss:$0x1], $0xffff;
	s24 =	sand.u32 $0x380, s20  }
.LBB1_3:
0x5b: {  	p1 =	sne.s32 s22, $0xFC;
	[tilespmem:s18+$0x1860 ss:$0x41] =	vst.msk $0xffff, v8;
	v8 =	vld.idx.msk [tilespmem:v0+s16+$0x470 ss:$0x1], $0xffff;
	s16 =	sor.u32 s24, s23  }
0x5c: {  	s23 =	sand.u32 $0x3B00, s16;
	v9 =	vld.idx.msk [tilespmem:v0+s16+$0x410 ss:$0x1], $0xffff;
	[tilespmem:s18+$0x1C70 ss:$0x41] =	vst.msk $0xffff, v7  }
0x5d: {  	s24 =	sand.u32 $0x80, s20;
	s23 =	sadd.s32 s23, s15;
	v7 =	vld.idx.msk [tilespmem:v0+s16+$0x420 ss:$0x1], $0xffff;
	[tilespmem:s18+$0x2490 ss:$0x41] =	vst.msk $0xffff, v1  }
0x5e: {  	s23 =	sadd.s32 s24, s23;
	v10 =	vld.idx.msk [tilespmem:v0+s16+$0x430 ss:$0x1], $0xffff;
	[tilespmem:s18+$0x28A0 ss:$0x41] =	vst.msk $0xffff, v2  }
0x5f: {  	v11 =	vld [tilespmem:s23+$0x400];
	[tilespmem:s18+$0x2CB0 ss:$0x41] =	vst.msk $0xffff, v3  }
0x60: {  	v12 =	vld [tilespmem:s23+$0x0];
	[tilespmem:s18+$0x30C0 ss:$0x41] =	vst.msk $0xffff, v4  }
0x61: {  	v4 =	vld [tilespmem:s23+$0x10];
	[tilespmem:s18+$0x34D0 ss:$0x41] =	vst.msk $0xffff, v5  }
0x62: {  	s24 =	sshra.s32 s19, $0x2;
	s19 =	smov.u32 s22;
	v1 =	vmov v9;
	v5 =	vld [tilespmem:s23+$0x20];
	[tilespmem:s18+$0x38E0 ss:$0x41] =	vst.msk $0xffff, v6  }
0x63: {  	v2 =	vmov v7;
	v6 =	vld [tilespmem:s23+$0x30];
	[tilespmem:s18+$0x3CF0 ss:$0x41] =	vst.msk $0xffff, v8;
	s18 =	sadd.s32 s24, s17  }
0x64: {  	v3 =	vmov v10;
	v9 =	vld [tilespmem:s23+$0x40];
	[tilespmem:s18+$0x2080 ss:$0x41] =	vst.msk $0xffff, v11  }
0x65: {  	[tilespmem:s18+$0x0 ss:$0x41] =	vst.msk $0xffff, v12;
	v10 =	vld [tilespmem:s23+$0x50]  }
.Ltmp3:
0x66: {  	[tilespmem:s18+$0x410 ss:$0x41] =	vst.msk $0xffff, v4;
	v8 =	vld [tilespmem:s23+$0x60];
	(pc) =	sbr.rel @p1 .LBB1_3-.Ltmp3, $4  }
0x67: {  	[tilespmem:s18+$0x820 ss:$0x41] =	vst.msk $0xffff, v5;
	v7 =	vld [tilespmem:s23+$0x70]  }
0x68: {  	[tilespmem:s18+$0xC30 ss:$0x41] =	vst.msk $0xffff, v6;
	v4 =	vld.idx.msk [tilespmem:v0+s16+$0x440 ss:$0x1], $0xffff  }
0x69: {  	s20 =	sadd.s32 $0x80, s20;
	s21 =	sadd.s32 $0x100, s21;
	[tilespmem:s18+$0x1040 ss:$0x41] =	vst.msk $0xffff, v9;
	v5 =	vld.idx.msk [tilespmem:v0+s16+$0x450 ss:$0x1], $0xffff  }
0x6a: {  	s22 =	sadd.s32 $0x4, s22;
	s24 =	sand.u32 $0x380, s20;
	s23 =	sand.u32 $0x3800, s21;
	[tilespmem:s18+$0x1450 ss:$0x41] =	vst.msk $0xffff, v10;
	v6 =	vld.idx.msk [tilespmem:v0+s16+$0x460 ss:$0x1], $0xffff  }
.Ltmp4:
0x6b: {  	_ = 	snop;
	(pc) =	sbr.rel .LBB1_4-.Ltmp4, $1  }
0x6c: {  	_ =	sdelay $0x3  }
.LBB1_6:
0x6d: {  	_ =	sfence.sel $0x180000  }
0x6e: {  	s2 =	simm.s32 $0x1;
	[bflag:$0x0] =	sbarrier.arrive $0xFFFF  }
0x6f: {  	s31 =	simm.s32 $0x2;
	[sflag:s2] =	ssyncpa.u1 $0x1  }
0x70: {  	[sflag:s31] =	ssyncpa.u1 $0x1  }
0x71: {  	p0 =	sne.s32 s0, $0x0;
	_ =	strace $0x90000047  }
0x72: {  	s0 =	sadd.s32 @!p0 $0x100000, s1;
	[bflag:$0x2] =	sbarrier.arrive $0xFFFF  }
0x73: {  	[sflag:s0] =	ssyncadd.tile.s32 @!p0 $0x1;
	_ =	shalt  }
.Lfunc_end1:
_tile_overlayer_lowered:
.L_overlay_start_2:
0x74: {  	(tag) =	ssettag $0x2  }
0x75: {  	s0 =	rddreg [dreg:$0x0];
	s2 =	stileid.u32  }
0x76: {  	s1 =	rddreg [dreg:$0x1];
	p0 =	sne.s32 s2, $0x0  }
0x77: {  	s3 =	rddreg [dreg:$0x2];
	[bflag:$0x3] =	sbarrier.arrive $0xFFFF;
	s2 =	simm.s32 @!p0 $0x1C01  }
0x78: {  	[timem:s3], [sflag:s2] =	dma.local @!p0 [hbm:s0], s1  }
0x79: {  	s0 =	simm.s32 @!p0 $0x1  }
0x7a: {  	_ =	swait.ge @!p0 [sflag:s0], s1  }
0x7b: {  	s1 =	ssub.s32 @!p0 $0x0, s1;
	[sflag:s0] =	ssyncset.done @!p0 $0x0  }
0x7c: {  	[sflag:s0] =	ssyncadd.s32 @!p0 s1  }
0x7d: {  	[bflag:$0x3] =	sbarrier.arrive $0xFFFF  }
0x7e: {  	_ =	shalt  }

// kernel: sparse-core-data-format-call.cloned.1.call-start
scs
called_computation_lowered:
.L_overlay_start_0:
0x0: {  	s1 =	sld [smem:$0x3FD9]  }
0x1: {  	s2 =	sld [smem:$0x3FFE];
	_ =	sdelay $0x1  }
0x2: {  	s3 =	srdreg.scid  }
0x3: {  	s0 =	sand.u32 $0x1, s3  }
0x4: {  	s17 =	sshll.u32 s0, $0xA;
	s1 =	sadd.s32 s2, s1  }
0x5: {  	s1 =	sadd.s32 s1, s17  }
0x6: {  	[smem:$0x3F9F] =	sst s1  }
0x7: {  	_ = 	snop  }
0x8: {  	(tm) =	ssettm $0x1  }
0x9: {  	s18 =	sld [smem:$0x3FFB];
	_ =	sdelay $0x3  }
0xa: {  	_ =	strace s18  }
0xb: {  	s1 =	sld [smem:$0x3FFC];
	_ =	sdelay $0x3  }
0xc: {  	_ =	strace s1  }
0xd: {  	s1 =	sld [smem:$0x3FFD];
	_ =	sdelay $0x3  }
0xe: {  	_ =	strace s1  }
0xf: {  	_ =	strace $0x8FFFFFFF  }
0x10: {  	s19 =	sld [smem:$0x3FDB];
	_ =	sdelay $0x1  }
0x11: {  	s20 =	simm.s32 $_scs_section_size  }
0x12: {  	s4 =	simm.s32 $_size__tile_overlayer_lowered;
	s5 =	simm.s32 $_tile_overlayer_lowered  }
0x13: {  	s23 =	simm.s32 $0x1BFF;
	s22 =	sshll.u32 s5, $0x1;
	s1 =	sadd.s32 s20, s19  }
0x14: {  	s6 =	simm.s32 $0x0;
	s21 =	sshll.u32 s4, $0x1;
	s4 =	sadd.s32 s22, s1  }
0x15: {  	[timem:s6], [sflag:s23] =	dma.local [hbm:s4], s21  }
0x16: {  	_ =	swait.ge [sflag:s23], s21  }
0x17: {  	s2 =	ssub.s32 $0x0, s21;
	[sflag:s23] =	ssyncset.done $0x0  }
0x18: {  	[sflag:s23] =	ssyncadd.s32 s2;
	_ =	sdelay $0x1  }
0x19: {  	s24 =	simm.s32 $0x1B8B  }
0x1a: {  	_ =	swait.ge [sflag:s24], $0x1  }
0x1b: {  	[sflag:s24] =	ssyncset.done $0x0  }
0x1c: {  	s26 =	simm.s32 $0x1B8E;
	s25 =	sld [smem:$0x3FFE];
	[sflag:s24] =	ssyncadd.s32 $0xFFFFFFFF  }
0x1d: {  	s27 =	simm.s32 $execute0_lowered;
	[smem:$0x3FD2] =	sst s26  }
0x1e: {  	s4 =	sshll.u32 s27, $0x1;
	_ =	strace $0x8000004C;
	[dreg:$0x1] =	wrdreg $0xFFFFFFFF  }
0x1f: {  	s28 =	simm.s32 $_size_execute0_lowered;
	s1 =	sadd.s32 s1, s4;
	[dreg:$0x0] =	wrdreg $0x0  }
0x20: {  	s4 =	sshll.u32 s28, $0x1;
	[dreg:$0x2] =	wrdreg s1  }
0x21: {  	[dreg:$0x3] =	wrdreg s4  }
0x22: {  	[dreg:$0x4] =	wrdreg $0xC0  }
0x23: {  	_ =	task [dreg:s6], $0x5FFFF  }
0x24: {  	[dreg:$0x1] =	wrdreg $0xFFFFFFFF  }
0x25: {  	[dreg:$0x0] =	wrdreg $0x60  }
0x26: {  	[dreg:$0x2] =	wrdreg s25  }
0x27: {  	[dreg:$0x3] =	wrdreg $0x9  }
0x28: {  	_ =	task.clear_ibuf [dreg:s6], $0x4FFFF;
	_ =	strace $0x9000004C  }
0x29: {  	s29 =	simm.s32 $0x9;
	_ =	strace $0x8000004E  }
0x2a: {  	_ =	swait.ge [sflag:s29], $0x1  }
0x2b: {  	[sflag:s29] =	ssyncadd.s32 $0xFFFFFFFF  }
0x2c: {  	_ =	strace $0x9000004E  }
0x2d: {  	_ =	sfence  }
0x2e: {  	s30 =	sld [smem:$0x0];
	_ =	sdelay $0x2  }
0x2f: {  	s31 =	sshll.u32 s3, $0xD;
	s3 =	sshrl.u32 s3, $0x2  }
0x30: {  	s2 =	sand.u32 $0x4000, s31;
	s1 =	sadd.s32 s3, s30  }
0x31: {  	s0 =	sor.u32 s2, s0;
	s1 =	sshll.u32 s1, $0x11  }
0x32: {  	s0 =	sor.u32 s1, s0  }
0x33: {  	s0 =	sadd.s32 $0x8F2B, s0  }
0x34: {  	[sflag:s0] =	ssyncadd.remote.s32 $0x1  }
0x35: {  	_ =	sfence.sel $0xFFFF  }
0x36: {  	[dreg:$0x0] =	wrdreg $0xFFFFFFFF;
	(pc) =	sbr.abs _section_cstart, $3  }
0x37: {  	[dreg:$0x1] =	wrdreg $0xFFFFFFFF  }
0x38: {  	_ =	task.clear_ibuf [dreg:s6], $0x2FFFF;
	_ =	strace $0x9FFFFFFF  }
0x39: {  	(tm) =	ssettm $0x7FFFFFFF  }
tec
execute0_lowered:
.L_overlay_start_1:
0x0: {  	(tag) =	ssettag $0x1  }
0x1: {  	s0 =	srdreg.scid  }
0x2: {  	s6 =	rddreg [dreg:$0x0];
	s7 =	simm.s32 $0x1;
	s1 =	sshll.u32 s0, $0x4  }
0x3: {  	s8 =	simm.s32 $0x2;
	s0 =	stileid.u32;
	s1 =	sand.u32 $0x10, s1  }
0x4: {  	s13 =	simm.s32 $0x0;
	s12 =	simm.s32 $0x0;
	s1 =	sor.u32 s0, s1  }
0x5: {  	s10 =	simm.s32 $0x0;
	s11 =	simm.s32 $0x0;
	s2 =	sshll.u32 s1, $0x8  }
0x6: {  	s3 =	sadd.s32 $0x220000, s6;
	s6 =	sadd.s32 $0x400000, s6;
	s5 =	ssub.s32 $0x3C000, s2  }
.Ltmp0:
0x7: {  	s1 =	rddreg [dreg:$0x1];
	s4 =	sand.u32 $0x1F00, s5;
	(pc) =	sbr.rel .LBB1_1-.Ltmp0, $4  }
0x8: {  	_ =	strace $0x8000004D;
	s9 =	smov.u32 s2;
	p0 =	sne.s32 s4, $0x0  }
0x9: {  	s5 =	sshrl.u32 s5, $0xD;
	s4 =	simm.s32 $0x1;
	s7 =	simm.s32 @!p0 $0x0  }
0xa: {  	[sflag:s4] =	ssyncpa.u1 $0x0;
	p0 =	por $0x0, $0x0;
	s5 =	sadd.s32 s7, s5  }
0xb: {  	[sflag:s8] =	ssyncpa.u1 $0x0;
	s8 =	simm.s32 $0x80;
	s7 =	sadd.s32 $0x1, s5  }
.LBB1_4:
0xc: {  	_ =	sdelay $0x3  }
0xd: {  	s21 =	sor.u32 s24, s23;
	v47 =	vld.idx.msk [tilespmem:v0+s16+$0x470 ss:$0x1], $0xffff  }
0xe: {  	v57 =	vld.idx.msk [tilespmem:v0+s21+$0x410 ss:$0x1], $0xffff  }
0xf: {  	v58 =	vld.idx.msk [tilespmem:v0+s21+$0x420 ss:$0x1], $0xffff  }
0x10: {  	[tilespmem:s18+$0x1860 ss:$0x41] =	vst.msk $0xffff, v8;
	v59 =	vld.idx.msk [tilespmem:v0+s21+$0x430 ss:$0x1], $0xffff  }
0x11: {  	[tilespmem:s18+$0x1C70 ss:$0x41] =	vst.msk $0xffff, v7;
	v60 =	vld.idx.msk [tilespmem:v0+s21+$0x440 ss:$0x1], $0xffff  }
0x12: {  	[tilespmem:s18+$0x2490 ss:$0x41] =	vst.msk $0xffff, v1;
	s22 =	sand.u32 $0x3B00, s21;
	v61 =	vld.idx.msk [tilespmem:v0+s21+$0x450 ss:$0x1], $0xffff  }
0x13: {  	s20 =	sand.u32 $0x80, s20;
	[tilespmem:s18+$0x28A0 ss:$0x41] =	vst.msk $0xffff, v2;
	v62 =	vld.idx.msk [tilespmem:v0+s21+$0x460 ss:$0x1], $0xffff;
	s15 =	sadd.s32 s22, s15  }
0x14: {  	[tilespmem:s18+$0x2CB0 ss:$0x41] =	vst.msk $0xffff, v3;
	v63 =	vld.idx.msk [tilespmem:v0+s21+$0x470 ss:$0x1], $0xffff;
	s15 =	sadd.s32 s20, s15  }
0x15: {  	[tilespmem:s18+$0x30C0 ss:$0x41] =	vst.msk $0xffff, v4;
	v48 =	vld [tilespmem:s15+$0x400]  }
0x16: {  	[tilespmem:s18+$0x34D0 ss:$0x41] =	vst.msk $0xffff, v5;
	v49 =	vld [tilespmem:s15+$0x0]  }
0x17: {  	s25 =	sshra.s32 s19, $0x2;
	[tilespmem:s18+$0x38E0 ss:$0x41] =	vst.msk $0xffff, v6;
	v50 =	vld [tilespmem:s15+$0x10]  }
0x18: {  	s16 =	sadd.s32 s25, s17;
	v51 =	vld [tilespmem:s15+$0x20];
	[tilespmem:s18+$0x3CF0 ss:$0x41] =	vst.msk $0xffff, v47  }
0x19: {  	v52 =	vld [tilespmem:s15+$0x30];
	[tilespmem:s16+$0x2490 ss:$0x41] =	vst.msk $0xffff, v57  }
0x1a: {  	v53 =	vld [tilespmem:s15+$0x40];
	[tilespmem:s16+$0x28A0 ss:$0x41] =	vst.msk $0xffff, v58  }
0x1b: {  	v54 =	vld [tilespmem:s15+$0x50];
	[tilespmem:s16+$0x2CB0 ss:$0x41] =	vst.msk $0xffff, v59  }
0x1c: {  	s13 =	sshll.u32 s13, $0x7;
	s26 =	sshll.u32 s12, $0x3;
	v55 =	vld [tilespmem:s15+$0x60];
	[tilespmem:s16+$0x30C0 ss:$0x41] =	vst.msk $0xffff, v60  }
0x1d: {  	s27 =	sand.u32 $0xFFFFFC00, s13;
	v56 =	vld [tilespmem:s15+$0x70];
	s15 =	sand.u32 $0xFFFFFC00, s26;
	[tilespmem:s16+$0x34D0 ss:$0x41] =	vst.msk $0xffff, v61  }
0x1e: {  	s13 =	sand.u32 $0x380, s13;
	s15 =	sadd.s32 s15, s27;
	[tilespmem:s16+$0x38E0 ss:$0x41] =	vst.msk $0xffff, v62  }
0x1f: {  	s13 =	sor.u32 s13, s15;
	[tilespmem:s16+$0x3CF0 ss:$0x41] =	vst.msk $0xffff, v63  }
0x20: {  	s13 =	sshrl.u32 s13, $0x7;
	[tilespmem:s16+$0x2080 ss:$0x41] =	vst.msk $0xffff, v48  }
0x21: {  	s28 =	smulhi.u32 $0x2222223, s13;
	[tilespmem:s16+$0x0 ss:$0x41] =	vst.msk $0xffff, v49  }
0x22: {  	[tilespmem:s16+$0x410 ss:$0x41] =	vst.msk $0xffff, v50  }
0x23: {  	[tilespmem:s16+$0x820 ss:$0x41] =	vst.msk $0xffff, v51;
	s15 =	sshrl.u32 s28, $0xB  }
0x24: {  	[tilespmem:s16+$0xC30 ss:$0x41] =	vst.msk $0xffff, v52;
	s15 =	smul.u32 $0x3C000, s15  }
0x25: {  	s29 =	sshrl.u32 s12, $0x3;
	[tilespmem:s16+$0x1040 ss:$0x41] =	vst.msk $0xffff, v53  }
0x26: {  	s31 =	sand.u32 $0x7, s12;
	s30 =	sand.u32 $0xF, s29;
	[tilespmem:s16+$0x1450 ss:$0x41] =	vst.msk $0xffff, v54;
	s13 =	ssub.s32 s13, s15  }
0x27: {  	s12 =	sshll.u32 s31, $0x12;
	[tilespmem:s16+$0x1860 ss:$0x41] =	vst.msk $0xffff, v55;
	s15 =	sadd.s32 s6, s30;
	s13 =	sshll.u32 s13, $0x4  }
0x28: {  	s12 =	sor.u32 $0x40, s12;
	[tilespmem:s16+$0x1C70 ss:$0x41] =	vst.msk $0xffff, v56;
	s13 =	sadd.s32 s13, s15  }
0x29: {  	[hbm4b:s13+s12] =	stream.strided.scatter [tilespmem:s14], [sflag:$0x2], $0x4000, s8, s12, $0x18;
	[tilespmem:$0x10200] =	vst v63  }
.LBB1_5:
0x2a: {  	s14 =	sadd.s32 $0x2000, s9  }
0x2b: {  	s12 =	sadd.s32 $0x40, s10;
	s16 =	smov.u32 s10;
	p2 =	sgt.s32 s14, $0x3BFFF  }
0x2c: {  	s16 =	smov.u32 @p2 s12  }
0x2d: {  	s14 =	smov.u32 @p2 s2;
	p2 =	sgt.s32 s16, $0x3F  }
0x2e: {  	s16 =	simm.s32 @p2 $0x0;
	p2 =	sne.s32 s11, s7  }
.Ltmp1:
0x2f: {  	p1 =	slt.u32 s11, $0x2;
	(pc) =	sbr.rel @!p2 .LBB1_6-.Ltmp1, $4  }
0x30: {  	s15 =	simm.s32 @!p1 $0x2  }
0x31: {  	s13 =	smov.u32 s9;
	p0 =	por !p0, !p0;
	_ =	swait.ge @!p1 [sflag:s15], $0x4000  }
0x32: {  	s12 =	smov.u32 s10;
	[sflag:s15] =	ssyncset.done @!p1 $0x0;
	s9 =	smov.u32 s14  }
0x33: {  	s11 =	sadd.s32 $0x1, s11;
	[sflag:s15] =	ssyncadd.s32 @!p1 $0xFFFFC000;
	s10 =	smov.u32 s16  }
.LBB1_1:
0x34: {  	p1 =	sge.u32 s11, s5  }
0x35: {  	s14 =	sshrl.u32 @!p1 s10, $0x3  }
0x36: {  	s15 =	sshll.u32 @!p1 s9, $0x3;
	s16 =	sshll.u32 @!p1 s10, $0x7;
	s14 =	smul.u32 @!p1 $0x1E0000, s14  }
0x37: {  	s17 =	sand.u32 @!p1 $0x7F, s9;
	s15 =	sand.u32 @!p1 $0xFFFFFC00, s15;
	s16 =	sand.u32 @!p1 $0x380, s16  }
0x38: {  	s14 =	sadd.s32 @!p1 s14, s15;
	s15 =	sor.u32 @!p1 s17, s16  }
0x39: {  	s15 =	sor.u32 @!p1 s14, s15  }
0x3a: {  	s16 =	smulhi.u32 @!p1 $0x88888889, s15;
	_ =	sdelay $0x1  }
0x3b: {  	s14 =	smulhi.u32 @!p1 $0x88888889, s14;
	s16 =	sshrl.u32 @!p1 s16, $0x11  }
0x3c: {  	s16 =	smul.u32 @!p1 $0x3C000, s16  }
0x3d: {  	s31 =	sadd.s32 $0xFFFFFFFF, s11;
	s17 =	sxor.u32 @!p1 $0xFFFFFFFF, s11;
	s14 =	sshrl.u32 @!p1 s14, $0x11  }
0x3e: {  	s17 =	sshll.u32 @!p1 s17, $0xE;
	s14 =	sand.u32 @!p1 $0x3F, s14;
	s15 =	ssub.s32 @!p1 s15, s16  }
0x3f: {  	s14 =	smul.u32 @!p1 $0x7800, s14;
	s16 =	sshrl.u32 @!p1 s15, $0x3;
	s15 =	sand.u32 @!p1 $0x7, s15  }
0x40: {  	s17 =	sand.u32 @!p1 $0x4000, s17;
	s16 =	sadd.s32 @!p1 s3, s16;
	s15 =	sshll.u32 @!p1 s15, $0x12  }
0x41: {  	s14 =	sadd.s32 @!p1 s14, s16;
	s15 =	sor.u32 @!p1 $0x800, s15;
	s16 =	simm.s32 @!p1 $0x1E0000  }
0x42: {  	[tilespmem:s17], [sflag:$0x1] =	stream.strided.gather @!p1 [hbm4b:s14+s15], $0x4000, s16, s15, $0x38;
	[tilespmem:$0x10200] =	vst v63  }
0x43: {  	p1 =	sge.u32 s31, s5  }
.Ltmp2:
0x44: {  	_ = 	snop;
	(pc) =	sbr.rel @p1 .LBB1_5-.Ltmp2, $1  }
0x45: {  	_ =	sdelay $0x3  }
0x46: {  	s17 =	simm.s32 $0x0  }
0x47: {  	s16 =	sand.u32 $0x3800, s17;
	s18 =	sand.u32 $0x380, s17  }
0x48: {  	s14 =	sand.u32 $0x1, s11;
	s16 =	sor.u32 s18, s16  }
0x49: {  	_ =	swait.ge [sflag:s4], $0x4000;
	s15 =	sshll.u32 s14, $0xE;
	s18 =	sand.u32 $0x3B00, s16  }
0x4a: {  	[sflag:s4] =	ssyncset.done $0x0;
	s17 =	sand.u32 $0x80, s17;
	s18 =	sadd.s32 s18, s15  }
0x4b: {  	[sflag:s4] =	ssyncadd.s32 $0xFFFFC000;
	s20 =	sadd.s32 s17, s18  }
0x4c: {  	v4 =	vld [tilespmem:s20+$0x400]  }
0x4d: {  	s19 =	simm.s32 $0x1;
	v5 =	vld [tilespmem:s20+$0x0]  }
0x4e: {  	s19 =	simm.s32 @!p0 $0x0;
	v6 =	vld [tilespmem:s20+$0x10]  }
0x4f: {  	v0 =	vmov s15;
	s31 =	smul.u32 $0x10400, s19;
	v7 =	vld [tilespmem:s20+$0x20]  }
0x50: {  	v9 =	vld [tilespmem:s20+$0x30]  }
0x51: {  	s17 =	sshrl.u32 s31, $0x2;
	v10 =	vld [tilespmem:s20+$0x40]  }
0x52: {  	s17 =	sor.u32 $0x8000, s17;
	v11 =	vld [tilespmem:s20+$0x50]  }
0x53: {  	v8 =	vld [tilespmem:s20+$0x60];
	s18 =	sadd.s32 $0x0, s17  }
0x54: {  	v1 =	vld.idx.msk [tilespmem:v0+s16+$0x410 ss:$0x1], $0xffff;
	[tilespmem:s18+$0x2080 ss:$0x41] =	vst.msk $0xffff, v4  }
0x55: {  	v2 =	vld.idx.msk [tilespmem:v0+s16+$0x420 ss:$0x1], $0xffff;
	[tilespmem:s18+$0x0 ss:$0x41] =	vst.msk $0xffff, v5  }
0x56: {  	v3 =	vld.idx.msk [tilespmem:v0+s16+$0x430 ss:$0x1], $0xffff;
	[tilespmem:s18+$0x410 ss:$0x41] =	vst.msk $0xffff, v6  }
0x57: {  	s14 =	smul.u32 $0x10400, s14;
	[tilespmem:s18+$0x820 ss:$0x41] =	vst.msk $0xffff, v7;
	v7 =	vld [tilespmem:s20+$0x70]  }
0x58: {  	s21 =	simm.s32 $0x100;
	s22 =	simm.s32 $0x8;
	[tilespmem:s18+$0xC30 ss:$0x41] =	vst.msk $0xffff, v9;
	v4 =	vld.idx.msk [tilespmem:v0+s16+$0x440 ss:$0x1], $0xffff  }
0x59: {  	s23 =	sand.u32 $0x3800, s21;
	s14 =	sshrl.u32 s14, $0x2;
	[tilespmem:s18+$0x1040 ss:$0x41] =	vst.msk $0xffff, v10;
	v5 =	vld.idx.msk [tilespmem:v0+s16+$0x450 ss:$0x1], $0xffff;
	s20 =	simm.s32 $0x80  }
0x5a: {  	s19 =	simm.s32 $0x4;
	s14 =	sor.u32 $0x8000, s14;
	[tilespmem:s18+$0x1450 ss:$0x41] =	vst.msk $0xffff, v11;
	v6 =	vld.idx.msk [tilespmem:v0+s16+$0x460 ss:$0x1], $0xffff;
	s24 =	sand.u32 $0x380, s20  }
.LBB1_3:
0x5b: {  	p1 =	sne.s32 s22, $0xFC;
	[tilespmem:s18+$0x1860 ss:$0x41] =	vst.msk $0xffff, v8;
	v8 =	vld.idx.msk [tilespmem:v0+s16+$0x470 ss:$0x1], $0xffff;
	s16 =	sor.u32 s24, s23  }
0x5c: {  	s23 =	sand.u32 $0x3B00, s16;
	v9 =	vld.idx.msk [tilespmem:v0+s16+$0x410 ss:$0x1], $0xffff;
	[tilespmem:s18+$0x1C70 ss:$0x41] =	vst.msk $0xffff, v7  }
0x5d: {  	s24 =	sand.u32 $0x80, s20;
	s23 =	sadd.s32 s23, s15;
	v7 =	vld.idx.msk [tilespmem:v0+s16+$0x420 ss:$0x1], $0xffff;
	[tilespmem:s18+$0x2490 ss:$0x41] =	vst.msk $0xffff, v1  }
0x5e: {  	s23 =	sadd.s32 s24, s23;
	v10 =	vld.idx.msk [tilespmem:v0+s16+$0x430 ss:$0x1], $0xffff;
	[tilespmem:s18+$0x28A0 ss:$0x41] =	vst.msk $0xffff, v2  }
0x5f: {  	v11 =	vld [tilespmem:s23+$0x400];
	[tilespmem:s18+$0x2CB0 ss:$0x41] =	vst.msk $0xffff, v3  }
0x60: {  	v12 =	vld [tilespmem:s23+$0x0];
	[tilespmem:s18+$0x30C0 ss:$0x41] =	vst.msk $0xffff, v4  }
0x61: {  	v4 =	vld [tilespmem:s23+$0x10];
	[tilespmem:s18+$0x34D0 ss:$0x41] =	vst.msk $0xffff, v5  }
0x62: {  	s24 =	sshra.s32 s19, $0x2;
	s19 =	smov.u32 s22;
	v1 =	vmov v9;
	v5 =	vld [tilespmem:s23+$0x20];
	[tilespmem:s18+$0x38E0 ss:$0x41] =	vst.msk $0xffff, v6  }
0x63: {  	v2 =	vmov v7;
	v6 =	vld [tilespmem:s23+$0x30];
	[tilespmem:s18+$0x3CF0 ss:$0x41] =	vst.msk $0xffff, v8;
	s18 =	sadd.s32 s24, s17  }
0x64: {  	v3 =	vmov v10;
	v9 =	vld [tilespmem:s23+$0x40];
	[tilespmem:s18+$0x2080 ss:$0x41] =	vst.msk $0xffff, v11  }
0x65: {  	[tilespmem:s18+$0x0 ss:$0x41] =	vst.msk $0xffff, v12;
	v10 =	vld [tilespmem:s23+$0x50]  }
.Ltmp3:
0x66: {  	[tilespmem:s18+$0x410 ss:$0x41] =	vst.msk $0xffff, v4;
	v8 =	vld [tilespmem:s23+$0x60];
	(pc) =	sbr.rel @p1 .LBB1_3-.Ltmp3, $4  }
0x67: {  	[tilespmem:s18+$0x820 ss:$0x41] =	vst.msk $0xffff, v5;
	v7 =	vld [tilespmem:s23+$0x70]  }
0x68: {  	[tilespmem:s18+$0xC30 ss:$0x41] =	vst.msk $0xffff, v6;
	v4 =	vld.idx.msk [tilespmem:v0+s16+$0x440 ss:$0x1], $0xffff  }
0x69: {  	s20 =	sadd.s32 $0x80, s20;
	s21 =	sadd.s32 $0x100, s21;
	[tilespmem:s18+$0x1040 ss:$0x41] =	vst.msk $0xffff, v9;
	v5 =	vld.idx.msk [tilespmem:v0+s16+$0x450 ss:$0x1], $0xffff  }
0x6a: {  	s22 =	sadd.s32 $0x4, s22;
	s24 =	sand.u32 $0x380, s20;
	s23 =	sand.u32 $0x3800, s21;
	[tilespmem:s18+$0x1450 ss:$0x41] =	vst.msk $0xffff, v10;
	v6 =	vld.idx.msk [tilespmem:v0+s16+$0x460 ss:$0x1], $0xffff  }
.Ltmp4:
0x6b: {  	_ = 	snop;
	(pc) =	sbr.rel .LBB1_4-.Ltmp4, $1  }
0x6c: {  	_ =	sdelay $0x3  }
.LBB1_6:
0x6d: {  	_ =	sfence.sel $0x180000  }
0x6e: {  	s2 =	simm.s32 $0x1;
	[bflag:$0x0] =	sbarrier.arrive $0xFFFF  }
0x6f: {  	s31 =	simm.s32 $0x2;
	[sflag:s2] =	ssyncpa.u1 $0x1  }
0x70: {  	[sflag:s31] =	ssyncpa.u1 $0x1  }
0x71: {  	p0 =	sne.s32 s0, $0x0;
	_ =	strace $0x9000004D  }
0x72: {  	s0 =	sadd.s32 @!p0 $0x100000, s1;
	[bflag:$0x2] =	sbarrier.arrive $0xFFFF  }
0x73: {  	[sflag:s0] =	ssyncadd.tile.s32 @!p0 $0x1;
	_ =	shalt  }
.Lfunc_end1:
_tile_overlayer_lowered:
.L_overlay_start_2:
0x74: {  	(tag) =	ssettag $0x2  }
0x75: {  	s0 =	rddreg [dreg:$0x0];
	s2 =	stileid.u32  }
0x76: {  	s1 =	rddreg [dreg:$0x1];
	p0 =	sne.s32 s2, $0x0  }
0x77: {  	s3 =	rddreg [dreg:$0x2];
	[bflag:$0x3] =	sbarrier.arrive $0xFFFF;
	s2 =	simm.s32 @!p0 $0x1C01  }
0x78: {  	[timem:s3], [sflag:s2] =	dma.local @!p0 [hbm:s0], s1  }
0x79: {  	s0 =	simm.s32 @!p0 $0x1  }
0x7a: {  	_ =	swait.ge @!p0 [sflag:s0], s1  }
0x7b: {  	s1 =	ssub.s32 @!p0 $0x0, s1;
	[sflag:s0] =	ssyncset.done @!p0 $0x0  }
0x7c: {  	[sflag:s0] =	ssyncadd.s32 @!p0 s1  }
0x7d: {  	[bflag:$0x3] =	sbarrier.arrive $0xFFFF  }
0x7e: {  	_ =	shalt  }

</sc_bundles>
